<compile_context>
chip_gen: v7x
topology: tpu7x:2x2x1
jax: 0.10.2.dev20260603
libtpu: 0.0.44.dev20260713+nightly
codegen_flags: <defaults>
</compile_context>

<pallas_src>
import functools

import jax
import jax.numpy as jnp
from jax import lax
from jax.experimental import pallas as pl
from jax.experimental.pallas import tpu as pltpu
from jax.experimental.pallas import tpu_sc as plsc

FROM_DIM = 64
TO_DIM = 64
BATCH = 16384
FIELDS = 26
VOCAB = 1000000

NC, NS = 2, 16
NW = NC * NS
BW = BATCH // NW
BB = 8
NPAIR = BW // (2 * BB)

T_BLK = 4096
SPLIT = 122 * T_BLK
T2_ROWS = VOCAB - SPLIT
T_GRID = -(-T2_ROWS // T_BLK)
P3_BM = 512


def _transform_body(wt_ref, b_ref, x1_ref, x2_ref, o_ref):
    dn = (((0,), (0,)), ((), ()))
    y1 = lax.dot_general(x1_ref[...], wt_ref[...], dn,
                         preferred_element_type=jnp.float32) + b_ref[...]
    y2 = lax.dot_general(x2_ref[...], wt_ref[...], dn,
                         preferred_element_type=jnp.float32) + b_ref[...]
    o_ref[...] = jnp.concatenate([y1, y2], axis=1)


def _tc_transform(tableT, Wt, b):
    return pl.pallas_call(
        _transform_body,
        grid=(T_GRID,),
        in_specs=[
            pl.BlockSpec((FROM_DIM, TO_DIM), lambda i: (0, 0)),
            pl.BlockSpec((1, TO_DIM), lambda i: (0, 0)),
            pl.BlockSpec((FROM_DIM, T_BLK), lambda i: (0, i)),
            pl.BlockSpec((FROM_DIM, T_BLK), lambda i: (0, 122 + i)),
        ],
        out_specs=pl.BlockSpec((T_BLK, 2 * TO_DIM), lambda i: (i, 0)),
        out_shape=jax.ShapeDtypeStruct((T2_ROWS, 2 * TO_DIM), jnp.float32),
    )(Wt, b, tableT, tableT)


def _sc_gather(t2, idx2d):
    mesh = plsc.VectorSubcoreMesh(
        core_axis_name="c", subcore_axis_name="s",
        num_cores=NC, num_subcores=NS)

    @functools.partial(
        pl.kernel,
        out_type=jax.ShapeDtypeStruct((BATCH, FIELDS, 2 * TO_DIM), jnp.float32),
        mesh=mesh,
        scratch_types=[
            pltpu.VMEM((BB, FIELDS), jnp.int32),
            pltpu.VMEM((BB, FIELDS), jnp.int32),
            pltpu.VMEM((BB, FIELDS, 2 * TO_DIM), jnp.float32),
            pltpu.VMEM((BB, FIELDS, 2 * TO_DIM), jnp.float32),
            pltpu.SemaphoreType.DMA,
            pltpu.SemaphoreType.DMA,
            pltpu.SemaphoreType.DMA,
            pltpu.SemaphoreType.DMA,
        ],
    )
    def gather_kernel(t2_hbm, idx_hbm, emb_hbm,
                      idx_a, idx_b, rows_a, rows_b,
                      sem_a, sem_b, sem_wa, sem_wb):
        wid = lax.axis_index("s") * NC + lax.axis_index("c")
        b0 = wid * BW

        def pair(p, carry):
            a0 = b0 + (2 * p) * BB
            c0 = a0 + BB
            pltpu.sync_copy(idx_hbm.at[pl.ds(a0, BB)], idx_a)
            da = [
                pltpu.async_copy(t2_hbm.at[idx_a.at[bb]], rows_a.at[bb], sem_a)
                for bb in range(BB)
            ]
            pltpu.sync_copy(idx_hbm.at[pl.ds(c0, BB)], idx_b)
            db = [
                pltpu.async_copy(t2_hbm.at[idx_b.at[bb]], rows_b.at[bb], sem_b)
                for bb in range(BB)
            ]
            for d in da:
                d.wait()
            wa = pltpu.async_copy(rows_a, emb_hbm.at[pl.ds(a0, BB)], sem_wa)
            for d in db:
                d.wait()
            wb = pltpu.async_copy(rows_b, emb_hbm.at[pl.ds(c0, BB)], sem_wb)
            wa.wait()
            wb.wait()
            return carry

        lax.fori_loop(0, NPAIR, pair, 0)

    return gather_kernel(t2, idx2d)


def _p3_body(x_ref, idx_ref, eye_ref, o_ref):
    x = x_ref[...]
    hi = idx_ref[...] >= SPLIT
    eye = eye_ref[...]
    for f in range(FIELDS):
        xf = x[:, f, :]
        sel = jnp.where(hi[:, f][:, None], xf[:, TO_DIM:], xf[:, :TO_DIM])
        o_ref[f] = lax.dot_general(
            eye, sel, (((1,), (1,)), ((), ())),
            preferred_element_type=jnp.float32)


def _tc_finalize(emb2, idx2d, eye):
    return pl.pallas_call(
        _p3_body,
        grid=(BATCH // P3_BM,),
        in_specs=[
            pl.BlockSpec((P3_BM, FIELDS, 2 * TO_DIM), lambda i: (i, 0, 0)),
            pl.BlockSpec((P3_BM, FIELDS), lambda i: (i, 0)),
            pl.BlockSpec((TO_DIM, TO_DIM), lambda i: (0, 0)),
        ],
        out_specs=pl.BlockSpec((FIELDS, TO_DIM, P3_BM), lambda i: (0, 0, i)),
        out_shape=jax.ShapeDtypeStruct((FIELDS, TO_DIM, BATCH), jnp.float32),
    )(emb2, idx2d, eye)


def kernel(indexes, table, W, b):
    idx2d = indexes.astype(jnp.int32)
    k2d = jnp.where(idx2d >= SPLIT, idx2d - SPLIT, idx2d)
    t2 = _tc_transform(table.T, W.T, b.reshape(1, TO_DIM))
    emb2 = _sc_gather(t2, k2d)
    out_t = _tc_finalize(emb2, idx2d, jnp.eye(TO_DIM, dtype=jnp.float32))
    return jnp.transpose(out_t, (2, 0, 1))

# --- scband reference (transcript-rebuilt; emitter-appended) ---
"""Pipeline reference for scband-transform-embedding-42803644072792 (READ-ONLY COPY).

The authoritative reference and input builder live on the scoring server;
editing this copy changes nothing except your own understanding.
"""

import jax, jax.numpy as jnp
import numpy as np

VOCAB = 1000000
FROM_DIM = 64
TO_DIM = 64
BATCH = 16384
FIELDS = 26


def setup_inputs(seed: int = 0) -> dict:
    key = jax.random.key(seed)
    k_idx, k_tab, k_w, k_b = jax.random.split(key, 4)
    indexes = jax.random.randint(k_idx, (BATCH, FIELDS), 0, VOCAB, dtype=jnp.int64 if jax.config.read('jax_enable_x64') else jnp.int32)
    table = jax.random.normal(k_tab, (VOCAB, FROM_DIM), dtype=jnp.float32)
    # nn.Linear default init: uniform(-1/sqrt(fan_in), 1/sqrt(fan_in))
    bound = 1.0 / np.sqrt(FROM_DIM)
    W = jax.random.uniform(k_w, (TO_DIM, FROM_DIM), minval=-bound, maxval=bound, dtype=jnp.float32)
    b = jax.random.uniform(k_b, (TO_DIM,), minval=-bound, maxval=bound, dtype=jnp.float32)
    return {"indexes": indexes, "table": table, "W": W, "b": b}


def reference(indexes, table, W, b):
    # embedding lookup: gather rows of the table
    emb = jnp.take(table, indexes, axis=0)  # [B, F, FROM_DIM]
    # linear: x @ W.T + b
    out = jnp.einsum('bfd,od->bfo', emb, W) + b
    return out

if __name__ == "__main__":
    import jax
    _d = setup_inputs()
    print(jax.jit(kernel)(*tuple(_d.values())))

</pallas_src>

<mosaic_0001>
#map = affine_map<(d0, d1) -> (0, 0)>
#map1 = affine_map<(d0, d1) -> (0, 0, 0)>
module attributes {stable_mosaic.version = 14 : i64} {
  func.func @gather_kernel(%arg0: i32, %arg1: i32, %arg2: memref<500288x128xf32, #tpu.memory_space<hbm>>, %arg3: memref<16384x26xi32, #tpu.memory_space<hbm>>, %arg4: memref<16384x26x128xf32, #tpu.memory_space<hbm>>, %arg5: memref<8x26xi32, #tpu.memory_space<vmem>>, %arg6: memref<8x26xi32, #tpu.memory_space<vmem>>, %arg7: memref<8x26x128xf32, #tpu.memory_space<vmem>>, %arg8: memref<8x26x128xf32, #tpu.memory_space<vmem>>, %arg9: memref<!tpu.dma_semaphore, #tpu.memory_space<semaphore_mem>>, %arg10: memref<!tpu.dma_semaphore, #tpu.memory_space<semaphore_mem>>, %arg11: memref<!tpu.dma_semaphore, #tpu.memory_space<semaphore_mem>>, %arg12: memref<!tpu.dma_semaphore, #tpu.memory_space<semaphore_mem>>) attributes {dimension_semantics = [#tpu.dimension_semantics<core_parallel>, #tpu.dimension_semantics<subcore_parallel>], iteration_bounds = array<i64: 2, 16>, scalar_prefetch = 0 : i64, scratch_operands = 8 : i64, tpu.core_type = #tpu.core_type<sc_vector_subcore>, window_params = [{transform_indices = #map}, {transform_indices = #map}, {transform_indices = #map1}]} {
    %mul3A = arith.constant 2 : i32
    %mul3A_0 = arith.muli %arg1, %mul3A : i32
    %add3A = arith.addi %mul3A_0, %arg0 : i32
    %mul3A_1 = arith.constant 512 : i32
    %mul3A_2 = arith.muli %add3A, %mul3A_1 : i32
    %scan3A = arith.constant 0 : i32
    %scan3A_3 = arith.constant 0 : i32
    %scan3A_4 = arith.constant 32 : i32
    %scan3A_5 = arith.addi %scan3A_3, %scan3A_4 : i32
    %scan3A_6 = arith.constant 1 : i32
    scf.for %scan3A_8 = %scan3A_3 to %scan3A_5 step %scan3A_6  : i32 {
      %mul3A_9 = arith.constant 2 : i32
      %mul3A_10 = arith.muli %mul3A_9, %scan3A_8 : i32
      %mul3A_11 = arith.constant 8 : i32
      %mul3A_12 = arith.muli %mul3A_10, %mul3A_11 : i32
      %add3A_13 = arith.addi %mul3A_2, %mul3A_12 : i32
      %add3A_14 = arith.constant 8 : i32
      %add3A_15 = arith.addi %add3A_13, %add3A_14 : i32
      "tpu.region"() ({
        %run_scoped3A = tpu.sem_alloc : memref<!tpu.dma_semaphore, #tpu.memory_space<semaphore_mem>>
        %dma_start3A_422 = arith.constant 0 : i32
        %dma_start3A_423 = tpu.memref_slice %arg3[%add3A_13, %dma_start3A_422] : memref<16384x26xi32, #tpu.memory_space<hbm>> -> memref<8x26xi32, #tpu.memory_space<hbm>>
        %dma_start3A_424 = arith.constant 0 : i32
        %dma_start3A_425 = tpu.memref_slice %arg3[%add3A_13, %dma_start3A_424] : memref<16384x26xi32, #tpu.memory_space<hbm>> -> memref<8x26xi32, #tpu.memory_space<hbm>>
        tpu.enqueue_dma source(%dma_start3A_425 : memref<8x26xi32, #tpu.memory_space<hbm>>) target(%arg5 : memref<8x26xi32, #tpu.memory_space<vmem>>) target_semaphore(%run_scoped3A : memref<!tpu.dma_semaphore, #tpu.memory_space<semaphore_mem>>)
        %dma_wait3A_426 = arith.constant 0 : i32
        %dma_wait3A_427 = tpu.memref_slice %arg3[%add3A_13, %dma_wait3A_426] : memref<16384x26xi32, #tpu.memory_space<hbm>> -> memref<8x26xi32, #tpu.memory_space<hbm>>
        %dma_wait3A_428 = arith.constant 0 : i32
        %dma_wait3A_429 = tpu.memref_slice %arg3[%add3A_13, %dma_wait3A_428] : memref<16384x26xi32, #tpu.memory_space<hbm>> -> memref<8x26xi32, #tpu.memory_space<hbm>>
        tpu.wait_dma2 semaphore(%run_scoped3A : memref<!tpu.dma_semaphore, #tpu.memory_space<semaphore_mem>>) src(%dma_wait3A_429 : memref<8x26xi32, #tpu.memory_space<hbm>>) dst(%arg5 : memref<8x26xi32, #tpu.memory_space<vmem>>)
        tpu.yield
      }) : () -> ()
      %dma_start3A = arith.constant 0 : i32
      %dma_start3A_16 = arith.constant 0 : i32
      %dma_start3A_17 = arith.constant 0 : i32
      %dma_start3A_18 = arith.constant 0 : i32
      %dma_start3A_19 = tpu.memref_slice %arg7[%dma_start3A_16, %dma_start3A_17, %dma_start3A_18] : memref<8x26x128xf32, #tpu.memory_space<vmem>> -> memref<1x26x128xf32, #tpu.memory_space<vmem>>
      %dma_start3A_20 = tpu.memref_squeeze %dma_start3A_19 : memref<1x26x128xf32, #tpu.memory_space<vmem>> -> memref<26x128xf32, #tpu.memory_space<vmem>>
      %dma_start3A_21 = arith.constant 0 : i32
      %dma_start3A_22 = tpu.memref_slice %arg5[%dma_start3A, %dma_start3A_21] : memref<8x26xi32, #tpu.memory_space<vmem>> -> memref<1x26xi32, #tpu.memory_space<vmem>>
      %dma_start3A_23 = tpu.memref_squeeze %dma_start3A_22 : memref<1x26xi32, #tpu.memory_space<vmem>> -> memref<26xi32, #tpu.memory_space<vmem>>
      %dma_start3A_24 = arith.constant 0 : i32
      %dma_start3A_25 = arith.constant 0 : i32
      %dma_start3A_26 = tpu.memref_slice %arg2[%dma_start3A_24, %dma_start3A_25] : memref<500288x128xf32, #tpu.memory_space<hbm>> -> memref<500288x128xf32, #tpu.memory_space<hbm>>
      tpu.enqueue_indirect_dma source(%dma_start3A_26 : memref<500288x128xf32, #tpu.memory_space<hbm>>) target(%dma_start3A_20 : memref<26x128xf32, #tpu.memory_space<vmem>>) offsets(%dma_start3A_23 : memref<26xi32, #tpu.memory_space<vmem>>) semaphore(%arg9 : memref<!tpu.dma_semaphore, #tpu.memory_space<semaphore_mem>>)
      %dma_start3A_27 = arith.constant 1 : i32
      %dma_start3A_28 = arith.constant 1 : i32
      %dma_start3A_29 = arith.constant 0 : i32
      %dma_start3A_30 = arith.constant 0 : i32
      %dma_start3A_31 = tpu.memref_slice %arg7[%dma_start3A_28, %dma_start3A_29, %dma_start3A_30] : memref<8x26x128xf32, #tpu.memory_space<vmem>> -> memref<1x26x128xf32, #tpu.memory_space<vmem>>
      %dma_start3A_32 = tpu.memref_squeeze %dma_start3A_31 : memref<1x26x128xf32, #tpu.memory_space<vmem>> -> memref<26x128xf32, #tpu.memory_space<vmem>>
      %dma_start3A_33 = arith.constant 0 : i32
      %dma_start3A_34 = tpu.memref_slice %arg5[%dma_start3A_27, %dma_start3A_33] : memref<8x26xi32, #tpu.memory_space<vmem>> -> memref<1x26xi32, #tpu.memory_space<vmem>>
      %dma_start3A_35 = tpu.memref_squeeze %dma_start3A_34 : memref<1x26xi32, #tpu.memory_space<vmem>> -> memref<26xi32, #tpu.memory_space<vmem>>
      %dma_start3A_36 = arith.constant 0 : i32
      %dma_start3A_37 = arith.constant 0 : i32
      %dma_start3A_38 = tpu.memref_slice %arg2[%dma_start3A_36, %dma_start3A_37] : memref<500288x128xf32, #tpu.memory_space<hbm>> -> memref<500288x128xf32, #tpu.memory_space<hbm>>
      tpu.enqueue_indirect_dma source(%dma_start3A_38 : memref<500288x128xf32, #tpu.memory_space<hbm>>) target(%dma_start3A_32 : memref<26x128xf32, #tpu.memory_space<vmem>>) offsets(%dma_start3A_35 : memref<26xi32, #tpu.memory_space<vmem>>) semaphore(%arg9 : memref<!tpu.dma_semaphore, #tpu.memory_space<semaphore_mem>>)
      %dma_start3A_39 = arith.constant 2 : i32
      %dma_start3A_40 = arith.constant 2 : i32
      %dma_start3A_41 = arith.constant 0 : i32
      %dma_start3A_42 = arith.constant 0 : i32
      %dma_start3A_43 = tpu.memref_slice %arg7[%dma_start3A_40, %dma_start3A_41, %dma_start3A_42] : memref<8x26x128xf32, #tpu.memory_space<vmem>> -> memref<1x26x128xf32, #tpu.memory_space<vmem>>
      %dma_start3A_44 = tpu.memref_squeeze %dma_start3A_43 : memref<1x26x128xf32, #tpu.memory_space<vmem>> -> memref<26x128xf32, #tpu.memory_space<vmem>>
      %dma_start3A_45 = arith.constant 0 : i32
      %dma_start3A_46 = tpu.memref_slice %arg5[%dma_start3A_39, %dma_start3A_45] : memref<8x26xi32, #tpu.memory_space<vmem>> -> memref<1x26xi32, #tpu.memory_space<vmem>>
      %dma_start3A_47 = tpu.memref_squeeze %dma_start3A_46 : memref<1x26xi32, #tpu.memory_space<vmem>> -> memref<26xi32, #tpu.memory_space<vmem>>
      %dma_start3A_48 = arith.constant 0 : i32
      %dma_start3A_49 = arith.constant 0 : i32
      %dma_start3A_50 = tpu.memref_slice %arg2[%dma_start3A_48, %dma_start3A_49] : memref<500288x128xf32, #tpu.memory_space<hbm>> -> memref<500288x128xf32, #tpu.memory_space<hbm>>
      tpu.enqueue_indirect_dma source(%dma_start3A_50 : memref<500288x128xf32, #tpu.memory_space<hbm>>) target(%dma_start3A_44 : memref<26x128xf32, #tpu.memory_space<vmem>>) offsets(%dma_start3A_47 : memref<26xi32, #tpu.memory_space<vmem>>) semaphore(%arg9 : memref<!tpu.dma_semaphore, #tpu.memory_space<semaphore_mem>>)
      %dma_start3A_51 = arith.constant 3 : i32
      %dma_start3A_52 = arith.constant 3 : i32
      %dma_start3A_53 = arith.constant 0 : i32
      %dma_start3A_54 = arith.constant 0 : i32
      %dma_start3A_55 = tpu.memref_slice %arg7[%dma_start3A_52, %dma_start3A_53, %dma_start3A_54] : memref<8x26x128xf32, #tpu.memory_space<vmem>> -> memref<1x26x128xf32, #tpu.memory_space<vmem>>
      %dma_start3A_56 = tpu.memref_squeeze %dma_start3A_55 : memref<1x26x128xf32, #tpu.memory_space<vmem>> -> memref<26x128xf32, #tpu.memory_space<vmem>>
      %dma_start3A_57 = arith.constant 0 : i32
      %dma_start3A_58 = tpu.memref_slice %arg5[%dma_start3A_51, %dma_start3A_57] : memref<8x26xi32, #tpu.memory_space<vmem>> -> memref<1x26xi32, #tpu.memory_space<vmem>>
      %dma_start3A_59 = tpu.memref_squeeze %dma_start3A_58 : memref<1x26xi32, #tpu.memory_space<vmem>> -> memref<26xi32, #tpu.memory_space<vmem>>
      %dma_start3A_60 = arith.constant 0 : i32
      %dma_start3A_61 = arith.constant 0 : i32
      %dma_start3A_62 = tpu.memref_slice %arg2[%dma_start3A_60, %dma_start3A_61] : memref<500288x128xf32, #tpu.memory_space<hbm>> -> memref<500288x128xf32, #tpu.memory_space<hbm>>
      tpu.enqueue_indirect_dma source(%dma_start3A_62 : memref<500288x128xf32, #tpu.memory_space<hbm>>) target(%dma_start3A_56 : memref<26x128xf32, #tpu.memory_space<vmem>>) offsets(%dma_start3A_59 : memref<26xi32, #tpu.memory_space<vmem>>) semaphore(%arg9 : memref<!tpu.dma_semaphore, #tpu.memory_space<semaphore_mem>>)
      %dma_start3A_63 = arith.constant 4 : i32
      %dma_start3A_64 = arith.constant 4 : i32
      %dma_start3A_65 = arith.constant 0 : i32
      %dma_start3A_66 = arith.constant 0 : i32
      %dma_start3A_67 = tpu.memref_slice %arg7[%dma_start3A_64, %dma_start3A_65, %dma_start3A_66] : memref<8x26x128xf32, #tpu.memory_space<vmem>> -> memref<1x26x128xf32, #tpu.memory_space<vmem>>
      %dma_start3A_68 = tpu.memref_squeeze %dma_start3A_67 : memref<1x26x128xf32, #tpu.memory_space<vmem>> -> memref<26x128xf32, #tpu.memory_space<vmem>>
      %dma_start3A_69 = arith.constant 0 : i32
      %dma_start3A_70 = tpu.memref_slice %arg5[%dma_start3A_63, %dma_start3A_69] : memref<8x26xi32, #tpu.memory_space<vmem>> -> memref<1x26xi32, #tpu.memory_space<vmem>>
      %dma_start3A_71 = tpu.memref_squeeze %dma_start3A_70 : memref<1x26xi32, #tpu.memory_space<vmem>> -> memref<26xi32, #tpu.memory_space<vmem>>
      %dma_start3A_72 = arith.constant 0 : i32
      %dma_start3A_73 = arith.constant 0 : i32
      %dma_start3A_74 = tpu.memref_slice %arg2[%dma_start3A_72, %dma_start3A_73] : memref<500288x128xf32, #tpu.memory_space<hbm>> -> memref<500288x128xf32, #tpu.memory_space<hbm>>
      tpu.enqueue_indirect_dma source(%dma_start3A_74 : memref<500288x128xf32, #tpu.memory_space<hbm>>) target(%dma_start3A_68 : memref<26x128xf32, #tpu.memory_space<vmem>>) offsets(%dma_start3A_71 : memref<26xi32, #tpu.memory_space<vmem>>) semaphore(%arg9 : memref<!tpu.dma_semaphore, #tpu.memory_space<semaphore_mem>>)
      %dma_start3A_75 = arith.constant 5 : i32
      %dma_start3A_76 = arith.constant 5 : i32
      %dma_start3A_77 = arith.constant 0 : i32
      %dma_start3A_78 = arith.constant 0 : i32
      %dma_start3A_79 = tpu.memref_slice %arg7[%dma_start3A_76, %dma_start3A_77, %dma_start3A_78] : memref<8x26x128xf32, #tpu.memory_space<vmem>> -> memref<1x26x128xf32, #tpu.memory_space<vmem>>
      %dma_start3A_80 = tpu.memref_squeeze %dma_start3A_79 : memref<1x26x128xf32, #tpu.memory_space<vmem>> -> memref<26x128xf32, #tpu.memory_space<vmem>>
      %dma_start3A_81 = arith.constant 0 : i32
      %dma_start3A_82 = tpu.memref_slice %arg5[%dma_start3A_75, %dma_start3A_81] : memref<8x26xi32, #tpu.memory_space<vmem>> -> memref<1x26xi32, #tpu.memory_space<vmem>>
      %dma_start3A_83 = tpu.memref_squeeze %dma_start3A_82 : memref<1x26xi32, #tpu.memory_space<vmem>> -> memref<26xi32, #tpu.memory_space<vmem>>
      %dma_start3A_84 = arith.constant 0 : i32
      %dma_start3A_85 = arith.constant 0 : i32
      %dma_start3A_86 = tpu.memref_slice %arg2[%dma_start3A_84, %dma_start3A_85] : memref<500288x128xf32, #tpu.memory_space<hbm>> -> memref<500288x128xf32, #tpu.memory_space<hbm>>
      tpu.enqueue_indirect_dma source(%dma_start3A_86 : memref<500288x128xf32, #tpu.memory_space<hbm>>) target(%dma_start3A_80 : memref<26x128xf32, #tpu.memory_space<vmem>>) offsets(%dma_start3A_83 : memref<26xi32, #tpu.memory_space<vmem>>) semaphore(%arg9 : memref<!tpu.dma_semaphore, #tpu.memory_space<semaphore_mem>>)
      %dma_start3A_87 = arith.constant 6 : i32
      %dma_start3A_88 = arith.constant 6 : i32
      %dma_start3A_89 = arith.constant 0 : i32
      %dma_start3A_90 = arith.constant 0 : i32
      %dma_start3A_91 = tpu.memref_slice %arg7[%dma_start3A_88, %dma_start3A_89, %dma_start3A_90] : memref<8x26x128xf32, #tpu.memory_space<vmem>> -> memref<1x26x128xf32, #tpu.memory_space<vmem>>
      %dma_start3A_92 = tpu.memref_squeeze %dma_start3A_91 : memref<1x26x128xf32, #tpu.memory_space<vmem>> -> memref<26x128xf32, #tpu.memory_space<vmem>>
      %dma_start3A_93 = arith.constant 0 : i32
      %dma_start3A_94 = tpu.memref_slice %arg5[%dma_start3A_87, %dma_start3A_93] : memref<8x26xi32, #tpu.memory_space<vmem>> -> memref<1x26xi32, #tpu.memory_space<vmem>>
      %dma_start3A_95 = tpu.memref_squeeze %dma_start3A_94 : memref<1x26xi32, #tpu.memory_space<vmem>> -> memref<26xi32, #tpu.memory_space<vmem>>
      %dma_start3A_96 = arith.constant 0 : i32
      %dma_start3A_97 = arith.constant 0 : i32
      %dma_start3A_98 = tpu.memref_slice %arg2[%dma_start3A_96, %dma_start3A_97] : memref<500288x128xf32, #tpu.memory_space<hbm>> -> memref<500288x128xf32, #tpu.memory_space<hbm>>
      tpu.enqueue_indirect_dma source(%dma_start3A_98 : memref<500288x128xf32, #tpu.memory_space<hbm>>) target(%dma_start3A_92 : memref<26x128xf32, #tpu.memory_space<vmem>>) offsets(%dma_start3A_95 : memref<26xi32, #tpu.memory_space<vmem>>) semaphore(%arg9 : memref<!tpu.dma_semaphore, #tpu.memory_space<semaphore_mem>>)
      %dma_start3A_99 = arith.constant 7 : i32
      %dma_start3A_100 = arith.constant 7 : i32
      %dma_start3A_101 = arith.constant 0 : i32
      %dma_start3A_102 = arith.constant 0 : i32
      %dma_start3A_103 = tpu.memref_slice %arg7[%dma_start3A_100, %dma_start3A_101, %dma_start3A_102] : memref<8x26x128xf32, #tpu.memory_space<vmem>> -> memref<1x26x128xf32, #tpu.memory_space<vmem>>
      %dma_start3A_104 = tpu.memref_squeeze %dma_start3A_103 : memref<1x26x128xf32, #tpu.memory_space<vmem>> -> memref<26x128xf32, #tpu.memory_space<vmem>>
      %dma_start3A_105 = arith.constant 0 : i32
      %dma_start3A_106 = tpu.memref_slice %arg5[%dma_start3A_99, %dma_start3A_105] : memref<8x26xi32, #tpu.memory_space<vmem>> -> memref<1x26xi32, #tpu.memory_space<vmem>>
      %dma_start3A_107 = tpu.memref_squeeze %dma_start3A_106 : memref<1x26xi32, #tpu.memory_space<vmem>> -> memref<26xi32, #tpu.memory_space<vmem>>
      %dma_start3A_108 = arith.constant 0 : i32
      %dma_start3A_109 = arith.constant 0 : i32
      %dma_start3A_110 = tpu.memref_slice %arg2[%dma_start3A_108, %dma_start3A_109] : memref<500288x128xf32, #tpu.memory_space<hbm>> -> memref<500288x128xf32, #tpu.memory_space<hbm>>
      tpu.enqueue_indirect_dma source(%dma_start3A_110 : memref<500288x128xf32, #tpu.memory_space<hbm>>) target(%dma_start3A_104 : memref<26x128xf32, #tpu.memory_space<vmem>>) offsets(%dma_start3A_107 : memref<26xi32, #tpu.memory_space<vmem>>) semaphore(%arg9 : memref<!tpu.dma_semaphore, #tpu.memory_space<semaphore_mem>>)
      "tpu.region"() ({
        %run_scoped3A = tpu.sem_alloc : memref<!tpu.dma_semaphore, #tpu.memory_space<semaphore_mem>>
        %dma_start3A_422 = arith.constant 0 : i32
        %dma_start3A_423 = tpu.memref_slice %arg3[%add3A_15, %dma_start3A_422] : memref<16384x26xi32, #tpu.memory_space<hbm>> -> memref<8x26xi32, #tpu.memory_space<hbm>>
        %dma_start3A_424 = arith.constant 0 : i32
        %dma_start3A_425 = tpu.memref_slice %arg3[%add3A_15, %dma_start3A_424] : memref<16384x26xi32, #tpu.memory_space<hbm>> -> memref<8x26xi32, #tpu.memory_space<hbm>>
        tpu.enqueue_dma source(%dma_start3A_425 : memref<8x26xi32, #tpu.memory_space<hbm>>) target(%arg6 : memref<8x26xi32, #tpu.memory_space<vmem>>) target_semaphore(%run_scoped3A : memref<!tpu.dma_semaphore, #tpu.memory_space<semaphore_mem>>)
        %dma_wait3A_426 = arith.constant 0 : i32
        %dma_wait3A_427 = tpu.memref_slice %arg3[%add3A_15, %dma_wait3A_426] : memref<16384x26xi32, #tpu.memory_space<hbm>> -> memref<8x26xi32, #tpu.memory_space<hbm>>
        %dma_wait3A_428 = arith.constant 0 : i32
        %dma_wait3A_429 = tpu.memref_slice %arg3[%add3A_15, %dma_wait3A_428] : memref<16384x26xi32, #tpu.memory_space<hbm>> -> memref<8x26xi32, #tpu.memory_space<hbm>>
        tpu.wait_dma2 semaphore(%run_scoped3A : memref<!tpu.dma_semaphore, #tpu.memory_space<semaphore_mem>>) src(%dma_wait3A_429 : memref<8x26xi32, #tpu.memory_space<hbm>>) dst(%arg6 : memref<8x26xi32, #tpu.memory_space<vmem>>)
        tpu.yield
      }) : () -> ()
      %dma_start3A_111 = arith.constant 0 : i32
      %dma_start3A_112 = arith.constant 0 : i32
      %dma_start3A_113 = arith.constant 0 : i32
      %dma_start3A_114 = arith.constant 0 : i32
      %dma_start3A_115 = tpu.memref_slice %arg8[%dma_start3A_112, %dma_start3A_113, %dma_start3A_114] : memref<8x26x128xf32, #tpu.memory_space<vmem>> -> memref<1x26x128xf32, #tpu.memory_space<vmem>>
      %dma_start3A_116 = tpu.memref_squeeze %dma_start3A_115 : memref<1x26x128xf32, #tpu.memory_space<vmem>> -> memref<26x128xf32, #tpu.memory_space<vmem>>
      %dma_start3A_117 = arith.constant 0 : i32
      %dma_start3A_118 = tpu.memref_slice %arg6[%dma_start3A_111, %dma_start3A_117] : memref<8x26xi32, #tpu.memory_space<vmem>> -> memref<1x26xi32, #tpu.memory_space<vmem>>
      %dma_start3A_119 = tpu.memref_squeeze %dma_start3A_118 : memref<1x26xi32, #tpu.memory_space<vmem>> -> memref<26xi32, #tpu.memory_space<vmem>>
      %dma_start3A_120 = arith.constant 0 : i32
      %dma_start3A_121 = arith.constant 0 : i32
      %dma_start3A_122 = tpu.memref_slice %arg2[%dma_start3A_120, %dma_start3A_121] : memref<500288x128xf32, #tpu.memory_space<hbm>> -> memref<500288x128xf32, #tpu.memory_space<hbm>>
      tpu.enqueue_indirect_dma source(%dma_start3A_122 : memref<500288x128xf32, #tpu.memory_space<hbm>>) target(%dma_start3A_116 : memref<26x128xf32, #tpu.memory_space<vmem>>) offsets(%dma_start3A_119 : memref<26xi32, #tpu.memory_space<vmem>>) semaphore(%arg10 : memref<!tpu.dma_semaphore, #tpu.memory_space<semaphore_mem>>)
      %dma_start3A_123 = arith.constant 1 : i32
      %dma_start3A_124 = arith.constant 1 : i32
      %dma_start3A_125 = arith.constant 0 : i32
      %dma_start3A_126 = arith.constant 0 : i32
      %dma_start3A_127 = tpu.memref_slice %arg8[%dma_start3A_124, %dma_start3A_125, %dma_start3A_126] : memref<8x26x128xf32, #tpu.memory_space<vmem>> -> memref<1x26x128xf32, #tpu.memory_space<vmem>>
      %dma_start3A_128 = tpu.memref_squeeze %dma_start3A_127 : memref<1x26x128xf32, #tpu.memory_space<vmem>> -> memref<26x128xf32, #tpu.memory_space<vmem>>
      %dma_start3A_129 = arith.constant 0 : i32
      %dma_start3A_130 = tpu.memref_slice %arg6[%dma_start3A_123, %dma_start3A_129] : memref<8x26xi32, #tpu.memory_space<vmem>> -> memref<1x26xi32, #tpu.memory_space<vmem>>
      %dma_start3A_131 = tpu.memref_squeeze %dma_start3A_130 : memref<1x26xi32, #tpu.memory_space<vmem>> -> memref<26xi32, #tpu.memory_space<vmem>>
      %dma_start3A_132 = arith.constant 0 : i32
      %dma_start3A_133 = arith.constant 0 : i32
      %dma_start3A_134 = tpu.memref_slice %arg2[%dma_start3A_132, %dma_start3A_133] : memref<500288x128xf32, #tpu.memory_space<hbm>> -> memref<500288x128xf32, #tpu.memory_space<hbm>>
      tpu.enqueue_indirect_dma source(%dma_start3A_134 : memref<500288x128xf32, #tpu.memory_space<hbm>>) target(%dma_start3A_128 : memref<26x128xf32, #tpu.memory_space<vmem>>) offsets(%dma_start3A_131 : memref<26xi32, #tpu.memory_space<vmem>>) semaphore(%arg10 : memref<!tpu.dma_semaphore, #tpu.memory_space<semaphore_mem>>)
      %dma_start3A_135 = arith.constant 2 : i32
      %dma_start3A_136 = arith.constant 2 : i32
      %dma_start3A_137 = arith.constant 0 : i32
      %dma_start3A_138 = arith.constant 0 : i32
      %dma_start3A_139 = tpu.memref_slice %arg8[%dma_start3A_136, %dma_start3A_137, %dma_start3A_138] : memref<8x26x128xf32, #tpu.memory_space<vmem>> -> memref<1x26x128xf32, #tpu.memory_space<vmem>>
      %dma_start3A_140 = tpu.memref_squeeze %dma_start3A_139 : memref<1x26x128xf32, #tpu.memory_space<vmem>> -> memref<26x128xf32, #tpu.memory_space<vmem>>
      %dma_start3A_141 = arith.constant 0 : i32
      %dma_start3A_142 = tpu.memref_slice %arg6[%dma_start3A_135, %dma_start3A_141] : memref<8x26xi32, #tpu.memory_space<vmem>> -> memref<1x26xi32, #tpu.memory_space<vmem>>
      %dma_start3A_143 = tpu.memref_squeeze %dma_start3A_142 : memref<1x26xi32, #tpu.memory_space<vmem>> -> memref<26xi32, #tpu.memory_space<vmem>>
      %dma_start3A_144 = arith.constant 0 : i32
      %dma_start3A_145 = arith.constant 0 : i32
      %dma_start3A_146 = tpu.memref_slice %arg2[%dma_start3A_144, %dma_start3A_145] : memref<500288x128xf32, #tpu.memory_space<hbm>> -> memref<500288x128xf32, #tpu.memory_space<hbm>>
      tpu.enqueue_indirect_dma source(%dma_start3A_146 : memref<500288x128xf32, #tpu.memory_space<hbm>>) target(%dma_start3A_140 : memref<26x128xf32, #tpu.memory_space<vmem>>) offsets(%dma_start3A_143 : memref<26xi32, #tpu.memory_space<vmem>>) semaphore(%arg10 : memref<!tpu.dma_semaphore, #tpu.memory_space<semaphore_mem>>)
      %dma_start3A_147 = arith.constant 3 : i32
      %dma_start3A_148 = arith.constant 3 : i32
      %dma_start3A_149 = arith.constant 0 : i32
      %dma_start3A_150 = arith.constant 0 : i32
      %dma_start3A_151 = tpu.memref_slice %arg8[%dma_start3A_148, %dma_start3A_149, %dma_start3A_150] : memref<8x26x128xf32, #tpu.memory_space<vmem>> -> memref<1x26x128xf32, #tpu.memory_space<vmem>>
      %dma_start3A_152 = tpu.memref_squeeze %dma_start3A_151 : memref<1x26x128xf32, #tpu.memory_space<vmem>> -> memref<26x128xf32, #tpu.memory_space<vmem>>
      %dma_start3A_153 = arith.constant 0 : i32
      %dma_start3A_154 = tpu.memref_slice %arg6[%dma_start3A_147, %dma_start3A_153] : memref<8x26xi32, #tpu.memory_space<vmem>> -> memref<1x26xi32, #tpu.memory_space<vmem>>
      %dma_start3A_155 = tpu.memref_squeeze %dma_start3A_154 : memref<1x26xi32, #tpu.memory_space<vmem>> -> memref<26xi32, #tpu.memory_space<vmem>>
      %dma_start3A_156 = arith.constant 0 : i32
      %dma_start3A_157 = arith.constant 0 : i32
      %dma_start3A_158 = tpu.memref_slice %arg2[%dma_start3A_156, %dma_start3A_157] : memref<500288x128xf32, #tpu.memory_space<hbm>> -> memref<500288x128xf32, #tpu.memory_space<hbm>>
      tpu.enqueue_indirect_dma source(%dma_start3A_158 : memref<500288x128xf32, #tpu.memory_space<hbm>>) target(%dma_start3A_152 : memref<26x128xf32, #tpu.memory_space<vmem>>) offsets(%dma_start3A_155 : memref<26xi32, #tpu.memory_space<vmem>>) semaphore(%arg10 : memref<!tpu.dma_semaphore, #tpu.memory_space<semaphore_mem>>)
      %dma_start3A_159 = arith.constant 4 : i32
      %dma_start3A_160 = arith.constant 4 : i32
      %dma_start3A_161 = arith.constant 0 : i32
      %dma_start3A_162 = arith.constant 0 : i32
      %dma_start3A_163 = tpu.memref_slice %arg8[%dma_start3A_160, %dma_start3A_161, %dma_start3A_162] : memref<8x26x128xf32, #tpu.memory_space<vmem>> -> memref<1x26x128xf32, #tpu.memory_space<vmem>>
      %dma_start3A_164 = tpu.memref_squeeze %dma_start3A_163 : memref<1x26x128xf32, #tpu.memory_space<vmem>> -> memref<26x128xf32, #tpu.memory_space<vmem>>
      %dma_start3A_165 = arith.constant 0 : i32
      %dma_start3A_166 = tpu.memref_slice %arg6[%dma_start3A_159, %dma_start3A_165] : memref<8x26xi32, #tpu.memory_space<vmem>> -> memref<1x26xi32, #tpu.memory_space<vmem>>
      %dma_start3A_167 = tpu.memref_squeeze %dma_start3A_166 : memref<1x26xi32, #tpu.memory_space<vmem>> -> memref<26xi32, #tpu.memory_space<vmem>>
      %dma_start3A_168 = arith.constant 0 : i32
      %dma_start3A_169 = arith.constant 0 : i32
      %dma_start3A_170 = tpu.memref_slice %arg2[%dma_start3A_168, %dma_start3A_169] : memref<500288x128xf32, #tpu.memory_space<hbm>> -> memref<500288x128xf32, #tpu.memory_space<hbm>>
      tpu.enqueue_indirect_dma source(%dma_start3A_170 : memref<500288x128xf32, #tpu.memory_space<hbm>>) target(%dma_start3A_164 : memref<26x128xf32, #tpu.memory_space<vmem>>) offsets(%dma_start3A_167 : memref<26xi32, #tpu.memory_space<vmem>>) semaphore(%arg10 : memref<!tpu.dma_semaphore, #tpu.memory_space<semaphore_mem>>)
      %dma_start3A_171 = arith.constant 5 : i32
      %dma_start3A_172 = arith.constant 5 : i32
      %dma_start3A_173 = arith.constant 0 : i32
      %dma_start3A_174 = arith.constant 0 : i32
      %dma_start3A_175 = tpu.memref_slice %arg8[%dma_start3A_172, %dma_start3A_173, %dma_start3A_174] : memref<8x26x128xf32, #tpu.memory_space<vmem>> -> memref<1x26x128xf32, #tpu.memory_space<vmem>>
      %dma_start3A_176 = tpu.memref_squeeze %dma_start3A_175 : memref<1x26x128xf32, #tpu.memory_space<vmem>> -> memref<26x128xf32, #tpu.memory_space<vmem>>
      %dma_start3A_177 = arith.constant 0 : i32
      %dma_start3A_178 = tpu.memref_slice %arg6[%dma_start3A_171, %dma_start3A_177] : memref<8x26xi32, #tpu.memory_space<vmem>> -> memref<1x26xi32, #tpu.memory_space<vmem>>
      %dma_start3A_179 = tpu.memref_squeeze %dma_start3A_178 : memref<1x26xi32, #tpu.memory_space<vmem>> -> memref<26xi32, #tpu.memory_space<vmem>>
      %dma_start3A_180 = arith.constant 0 : i32
      %dma_start3A_181 = arith.constant 0 : i32
      %dma_start3A_182 = tpu.memref_slice %arg2[%dma_start3A_180, %dma_start3A_181] : memref<500288x128xf32, #tpu.memory_space<hbm>> -> memref<500288x128xf32, #tpu.memory_space<hbm>>
      tpu.enqueue_indirect_dma source(%dma_start3A_182 : memref<500288x128xf32, #tpu.memory_space<hbm>>) target(%dma_start3A_176 : memref<26x128xf32, #tpu.memory_space<vmem>>) offsets(%dma_start3A_179 : memref<26xi32, #tpu.memory_space<vmem>>) semaphore(%arg10 : memref<!tpu.dma_semaphore, #tpu.memory_space<semaphore_mem>>)
      %dma_start3A_183 = arith.constant 6 : i32
      %dma_start3A_184 = arith.constant 6 : i32
      %dma_start3A_185 = arith.constant 0 : i32
      %dma_start3A_186 = arith.constant 0 : i32
      %dma_start3A_187 = tpu.memref_slice %arg8[%dma_start3A_184, %dma_start3A_185, %dma_start3A_186] : memref<8x26x128xf32, #tpu.memory_space<vmem>> -> memref<1x26x128xf32, #tpu.memory_space<vmem>>
      %dma_start3A_188 = tpu.memref_squeeze %dma_start3A_187 : memref<1x26x128xf32, #tpu.memory_space<vmem>> -> memref<26x128xf32, #tpu.memory_space<vmem>>
      %dma_start3A_189 = arith.constant 0 : i32
      %dma_start3A_190 = tpu.memref_slice %arg6[%dma_start3A_183, %dma_start3A_189] : memref<8x26xi32, #tpu.memory_space<vmem>> -> memref<1x26xi32, #tpu.memory_space<vmem>>
      %dma_start3A_191 = tpu.memref_squeeze %dma_start3A_190 : memref<1x26xi32, #tpu.memory_space<vmem>> -> memref<26xi32, #tpu.memory_space<vmem>>
      %dma_start3A_192 = arith.constant 0 : i32
      %dma_start3A_193 = arith.constant 0 : i32
      %dma_start3A_194 = tpu.memref_slice %arg2[%dma_start3A_192, %dma_start3A_193] : memref<500288x128xf32, #tpu.memory_space<hbm>> -> memref<500288x128xf32, #tpu.memory_space<hbm>>
      tpu.enqueue_indirect_dma source(%dma_start3A_194 : memref<500288x128xf32, #tpu.memory_space<hbm>>) target(%dma_start3A_188 : memref<26x128xf32, #tpu.memory_space<vmem>>) offsets(%dma_start3A_191 : memref<26xi32, #tpu.memory_space<vmem>>) semaphore(%arg10 : memref<!tpu.dma_semaphore, #tpu.memory_space<semaphore_mem>>)
      %dma_start3A_195 = arith.constant 7 : i32
      %dma_start3A_196 = arith.constant 7 : i32
      %dma_start3A_197 = arith.constant 0 : i32
      %dma_start3A_198 = arith.constant 0 : i32
      %dma_start3A_199 = tpu.memref_slice %arg8[%dma_start3A_196, %dma_start3A_197, %dma_start3A_198] : memref<8x26x128xf32, #tpu.memory_space<vmem>> -> memref<1x26x128xf32, #tpu.memory_space<vmem>>
      %dma_start3A_200 = tpu.memref_squeeze %dma_start3A_199 : memref<1x26x128xf32, #tpu.memory_space<vmem>> -> memref<26x128xf32, #tpu.memory_space<vmem>>
      %dma_start3A_201 = arith.constant 0 : i32
      %dma_start3A_202 = tpu.memref_slice %arg6[%dma_start3A_195, %dma_start3A_201] : memref<8x26xi32, #tpu.memory_space<vmem>> -> memref<1x26xi32, #tpu.memory_space<vmem>>
      %dma_start3A_203 = tpu.memref_squeeze %dma_start3A_202 : memref<1x26xi32, #tpu.memory_space<vmem>> -> memref<26xi32, #tpu.memory_space<vmem>>
      %dma_start3A_204 = arith.constant 0 : i32
      %dma_start3A_205 = arith.constant 0 : i32
      %dma_start3A_206 = tpu.memref_slice %arg2[%dma_start3A_204, %dma_start3A_205] : memref<500288x128xf32, #tpu.memory_space<hbm>> -> memref<500288x128xf32, #tpu.memory_space<hbm>>
      tpu.enqueue_indirect_dma source(%dma_start3A_206 : memref<500288x128xf32, #tpu.memory_space<hbm>>) target(%dma_start3A_200 : memref<26x128xf32, #tpu.memory_space<vmem>>) offsets(%dma_start3A_203 : memref<26xi32, #tpu.memory_space<vmem>>) semaphore(%arg10 : memref<!tpu.dma_semaphore, #tpu.memory_space<semaphore_mem>>)
      %dma_wait3A = arith.constant 0 : i32
      %dma_wait3A_207 = arith.constant 0 : i32
      %dma_wait3A_208 = arith.constant 0 : i32
      %dma_wait3A_209 = arith.constant 0 : i32
      %dma_wait3A_210 = tpu.memref_slice %arg7[%dma_wait3A_207, %dma_wait3A_208, %dma_wait3A_209] : memref<8x26x128xf32, #tpu.memory_space<vmem>> -> memref<1x26x128xf32, #tpu.memory_space<vmem>>
      %dma_wait3A_211 = tpu.memref_squeeze %dma_wait3A_210 : memref<1x26x128xf32, #tpu.memory_space<vmem>> -> memref<26x128xf32, #tpu.memory_space<vmem>>
      %dma_wait3A_212 = arith.constant 0 : i32
      %dma_wait3A_213 = tpu.memref_slice %arg5[%dma_wait3A, %dma_wait3A_212] : memref<8x26xi32, #tpu.memory_space<vmem>> -> memref<1x26xi32, #tpu.memory_space<vmem>>
      %dma_wait3A_214 = tpu.memref_squeeze %dma_wait3A_213 : memref<1x26xi32, #tpu.memory_space<vmem>> -> memref<26xi32, #tpu.memory_space<vmem>>
      %dma_wait3A_215 = arith.constant 0 : i32
      %dma_wait3A_216 = arith.constant 0 : i32
      %dma_wait3A_217 = tpu.memref_slice %arg2[%dma_wait3A_215, %dma_wait3A_216] : memref<500288x128xf32, #tpu.memory_space<hbm>> -> memref<500288x128xf32, #tpu.memory_space<hbm>>
      tpu.wait_indirect_dma semaphore(%arg9 : memref<!tpu.dma_semaphore, #tpu.memory_space<semaphore_mem>>) src(%dma_wait3A_217 : memref<500288x128xf32, #tpu.memory_space<hbm>>) dst(%dma_wait3A_211 : memref<26x128xf32, #tpu.memory_space<vmem>>)
      %dma_wait3A_218 = arith.constant 1 : i32
      %dma_wait3A_219 = arith.constant 1 : i32
      %dma_wait3A_220 = arith.constant 0 : i32
      %dma_wait3A_221 = arith.constant 0 : i32
      %dma_wait3A_222 = tpu.memref_slice %arg7[%dma_wait3A_219, %dma_wait3A_220, %dma_wait3A_221] : memref<8x26x128xf32, #tpu.memory_space<vmem>> -> memref<1x26x128xf32, #tpu.memory_space<vmem>>
      %dma_wait3A_223 = tpu.memref_squeeze %dma_wait3A_222 : memref<1x26x128xf32, #tpu.memory_space<vmem>> -> memref<26x128xf32, #tpu.memory_space<vmem>>
      %dma_wait3A_224 = arith.constant 0 : i32
      %dma_wait3A_225 = tpu.memref_slice %arg5[%dma_wait3A_218, %dma_wait3A_224] : memref<8x26xi32, #tpu.memory_space<vmem>> -> memref<1x26xi32, #tpu.memory_space<vmem>>
      %dma_wait3A_226 = tpu.memref_squeeze %dma_wait3A_225 : memref<1x26xi32, #tpu.memory_space<vmem>> -> memref<26xi32, #tpu.memory_space<vmem>>
      %dma_wait3A_227 = arith.constant 0 : i32
      %dma_wait3A_228 = arith.constant 0 : i32
      %dma_wait3A_229 = tpu.memref_slice %arg2[%dma_wait3A_227, %dma_wait3A_228] : memref<500288x128xf32, #tpu.memory_space<hbm>> -> memref<500288x128xf32, #tpu.memory_space<hbm>>
      tpu.wait_indirect_dma semaphore(%arg9 : memref<!tpu.dma_semaphore, #tpu.memory_space<semaphore_mem>>) src(%dma_wait3A_229 : memref<500288x128xf32, #tpu.memory_space<hbm>>) dst(%dma_wait3A_223 : memref<26x128xf32, #tpu.memory_space<vmem>>)
      %dma_wait3A_230 = arith.constant 2 : i32
      %dma_wait3A_231 = arith.constant 2 : i32
      %dma_wait3A_232 = arith.constant 0 : i32
      %dma_wait3A_233 = arith.constant 0 : i32
      %dma_wait3A_234 = tpu.memref_slice %arg7[%dma_wait3A_231, %dma_wait3A_232, %dma_wait3A_233] : memref<8x26x128xf32, #tpu.memory_space<vmem>> -> memref<1x26x128xf32, #tpu.memory_space<vmem>>
      %dma_wait3A_235 = tpu.memref_squeeze %dma_wait3A_234 : memref<1x26x128xf32, #tpu.memory_space<vmem>> -> memref<26x128xf32, #tpu.memory_space<vmem>>
      %dma_wait3A_236 = arith.constant 0 : i32
      %dma_wait3A_237 = tpu.memref_slice %arg5[%dma_wait3A_230, %dma_wait3A_236] : memref<8x26xi32, #tpu.memory_space<vmem>> -> memref<1x26xi32, #tpu.memory_space<vmem>>
      %dma_wait3A_238 = tpu.memref_squeeze %dma_wait3A_237 : memref<1x26xi32, #tpu.memory_space<vmem>> -> memref<26xi32, #tpu.memory_space<vmem>>
      %dma_wait3A_239 = arith.constant 0 : i32
      %dma_wait3A_240 = arith.constant 0 : i32
      %dma_wait3A_241 = tpu.memref_slice %arg2[%dma_wait3A_239, %dma_wait3A_240] : memref<500288x128xf32, #tpu.memory_space<hbm>> -> memref<500288x128xf32, #tpu.memory_space<hbm>>
      tpu.wait_indirect_dma semaphore(%arg9 : memref<!tpu.dma_semaphore, #tpu.memory_space<semaphore_mem>>) src(%dma_wait3A_241 : memref<500288x128xf32, #tpu.memory_space<hbm>>) dst(%dma_wait3A_235 : memref<26x128xf32, #tpu.memory_space<vmem>>)
      %dma_wait3A_242 = arith.constant 3 : i32
      %dma_wait3A_243 = arith.constant 3 : i32
      %dma_wait3A_244 = arith.constant 0 : i32
      %dma_wait3A_245 = arith.constant 0 : i32
      %dma_wait3A_246 = tpu.memref_slice %arg7[%dma_wait3A_243, %dma_wait3A_244, %dma_wait3A_245] : memref<8x26x128xf32, #tpu.memory_space<vmem>> -> memref<1x26x128xf32, #tpu.memory_space<vmem>>
      %dma_wait3A_247 = tpu.memref_squeeze %dma_wait3A_246 : memref<1x26x128xf32, #tpu.memory_space<vmem>> -> memref<26x128xf32, #tpu.memory_space<vmem>>
      %dma_wait3A_248 = arith.constant 0 : i32
      %dma_wait3A_249 = tpu.memref_slice %arg5[%dma_wait3A_242, %dma_wait3A_248] : memref<8x26xi32, #tpu.memory_space<vmem>> -> memref<1x26xi32, #tpu.memory_space<vmem>>
      %dma_wait3A_250 = tpu.memref_squeeze %dma_wait3A_249 : memref<1x26xi32, #tpu.memory_space<vmem>> -> memref<26xi32, #tpu.memory_space<vmem>>
      %dma_wait3A_251 = arith.constant 0 : i32
      %dma_wait3A_252 = arith.constant 0 : i32
      %dma_wait3A_253 = tpu.memref_slice %arg2[%dma_wait3A_251, %dma_wait3A_252] : memref<500288x128xf32, #tpu.memory_space<hbm>> -> memref<500288x128xf32, #tpu.memory_space<hbm>>
      tpu.wait_indirect_dma semaphore(%arg9 : memref<!tpu.dma_semaphore, #tpu.memory_space<semaphore_mem>>) src(%dma_wait3A_253 : memref<500288x128xf32, #tpu.memory_space<hbm>>) dst(%dma_wait3A_247 : memref<26x128xf32, #tpu.memory_space<vmem>>)
      %dma_wait3A_254 = arith.constant 4 : i32
      %dma_wait3A_255 = arith.constant 4 : i32
      %dma_wait3A_256 = arith.constant 0 : i32
      %dma_wait3A_257 = arith.constant 0 : i32
      %dma_wait3A_258 = tpu.memref_slice %arg7[%dma_wait3A_255, %dma_wait3A_256, %dma_wait3A_257] : memref<8x26x128xf32, #tpu.memory_space<vmem>> -> memref<1x26x128xf32, #tpu.memory_space<vmem>>
      %dma_wait3A_259 = tpu.memref_squeeze %dma_wait3A_258 : memref<1x26x128xf32, #tpu.memory_space<vmem>> -> memref<26x128xf32, #tpu.memory_space<vmem>>
      %dma_wait3A_260 = arith.constant 0 : i32
      %dma_wait3A_261 = tpu.memref_slice %arg5[%dma_wait3A_254, %dma_wait3A_260] : memref<8x26xi32, #tpu.memory_space<vmem>> -> memref<1x26xi32, #tpu.memory_space<vmem>>
      %dma_wait3A_262 = tpu.memref_squeeze %dma_wait3A_261 : memref<1x26xi32, #tpu.memory_space<vmem>> -> memref<26xi32, #tpu.memory_space<vmem>>
      %dma_wait3A_263 = arith.constant 0 : i32
      %dma_wait3A_264 = arith.constant 0 : i32
      %dma_wait3A_265 = tpu.memref_slice %arg2[%dma_wait3A_263, %dma_wait3A_264] : memref<500288x128xf32, #tpu.memory_space<hbm>> -> memref<500288x128xf32, #tpu.memory_space<hbm>>
      tpu.wait_indirect_dma semaphore(%arg9 : memref<!tpu.dma_semaphore, #tpu.memory_space<semaphore_mem>>) src(%dma_wait3A_265 : memref<500288x128xf32, #tpu.memory_space<hbm>>) dst(%dma_wait3A_259 : memref<26x128xf32, #tpu.memory_space<vmem>>)
      %dma_wait3A_266 = arith.constant 5 : i32
      %dma_wait3A_267 = arith.constant 5 : i32
      %dma_wait3A_268 = arith.constant 0 : i32
      %dma_wait3A_269 = arith.constant 0 : i32
      %dma_wait3A_270 = tpu.memref_slice %arg7[%dma_wait3A_267, %dma_wait3A_268, %dma_wait3A_269] : memref<8x26x128xf32, #tpu.memory_space<vmem>> -> memref<1x26x128xf32, #tpu.memory_space<vmem>>
      %dma_wait3A_271 = tpu.memref_squeeze %dma_wait3A_270 : memref<1x26x128xf32, #tpu.memory_space<vmem>> -> memref<26x128xf32, #tpu.memory_space<vmem>>
      %dma_wait3A_272 = arith.constant 0 : i32
      %dma_wait3A_273 = tpu.memref_slice %arg5[%dma_wait3A_266, %dma_wait3A_272] : memref<8x26xi32, #tpu.memory_space<vmem>> -> memref<1x26xi32, #tpu.memory_space<vmem>>
      %dma_wait3A_274 = tpu.memref_squeeze %dma_wait3A_273 : memref<1x26xi32, #tpu.memory_space<vmem>> -> memref<26xi32, #tpu.memory_space<vmem>>
      %dma_wait3A_275 = arith.constant 0 : i32
      %dma_wait3A_276 = arith.constant 0 : i32
      %dma_wait3A_277 = tpu.memref_slice %arg2[%dma_wait3A_275, %dma_wait3A_276] : memref<500288x128xf32, #tpu.memory_space<hbm>> -> memref<500288x128xf32, #tpu.memory_space<hbm>>
      tpu.wait_indirect_dma semaphore(%arg9 : memref<!tpu.dma_semaphore, #tpu.memory_space<semaphore_mem>>) src(%dma_wait3A_277 : memref<500288x128xf32, #tpu.memory_space<hbm>>) dst(%dma_wait3A_271 : memref<26x128xf32, #tpu.memory_space<vmem>>)
      %dma_wait3A_278 = arith.constant 6 : i32
      %dma_wait3A_279 = arith.constant 6 : i32
      %dma_wait3A_280 = arith.constant 0 : i32
      %dma_wait3A_281 = arith.constant 0 : i32
      %dma_wait3A_282 = tpu.memref_slice %arg7[%dma_wait3A_279, %dma_wait3A_280, %dma_wait3A_281] : memref<8x26x128xf32, #tpu.memory_space<vmem>> -> memref<1x26x128xf32, #tpu.memory_space<vmem>>
      %dma_wait3A_283 = tpu.memref_squeeze %dma_wait3A_282 : memref<1x26x128xf32, #tpu.memory_space<vmem>> -> memref<26x128xf32, #tpu.memory_space<vmem>>
      %dma_wait3A_284 = arith.constant 0 : i32
      %dma_wait3A_285 = tpu.memref_slice %arg5[%dma_wait3A_278, %dma_wait3A_284] : memref<8x26xi32, #tpu.memory_space<vmem>> -> memref<1x26xi32, #tpu.memory_space<vmem>>
      %dma_wait3A_286 = tpu.memref_squeeze %dma_wait3A_285 : memref<1x26xi32, #tpu.memory_space<vmem>> -> memref<26xi32, #tpu.memory_space<vmem>>
      %dma_wait3A_287 = arith.constant 0 : i32
      %dma_wait3A_288 = arith.constant 0 : i32
      %dma_wait3A_289 = tpu.memref_slice %arg2[%dma_wait3A_287, %dma_wait3A_288] : memref<500288x128xf32, #tpu.memory_space<hbm>> -> memref<500288x128xf32, #tpu.memory_space<hbm>>
      tpu.wait_indirect_dma semaphore(%arg9 : memref<!tpu.dma_semaphore, #tpu.memory_space<semaphore_mem>>) src(%dma_wait3A_289 : memref<500288x128xf32, #tpu.memory_space<hbm>>) dst(%dma_wait3A_283 : memref<26x128xf32, #tpu.memory_space<vmem>>)
      %dma_wait3A_290 = arith.constant 7 : i32
      %dma_wait3A_291 = arith.constant 7 : i32
      %dma_wait3A_292 = arith.constant 0 : i32
      %dma_wait3A_293 = arith.constant 0 : i32
      %dma_wait3A_294 = tpu.memref_slice %arg7[%dma_wait3A_291, %dma_wait3A_292, %dma_wait3A_293] : memref<8x26x128xf32, #tpu.memory_space<vmem>> -> memref<1x26x128xf32, #tpu.memory_space<vmem>>
      %dma_wait3A_295 = tpu.memref_squeeze %dma_wait3A_294 : memref<1x26x128xf32, #tpu.memory_space<vmem>> -> memref<26x128xf32, #tpu.memory_space<vmem>>
      %dma_wait3A_296 = arith.constant 0 : i32
      %dma_wait3A_297 = tpu.memref_slice %arg5[%dma_wait3A_290, %dma_wait3A_296] : memref<8x26xi32, #tpu.memory_space<vmem>> -> memref<1x26xi32, #tpu.memory_space<vmem>>
      %dma_wait3A_298 = tpu.memref_squeeze %dma_wait3A_297 : memref<1x26xi32, #tpu.memory_space<vmem>> -> memref<26xi32, #tpu.memory_space<vmem>>
      %dma_wait3A_299 = arith.constant 0 : i32
      %dma_wait3A_300 = arith.constant 0 : i32
      %dma_wait3A_301 = tpu.memref_slice %arg2[%dma_wait3A_299, %dma_wait3A_300] : memref<500288x128xf32, #tpu.memory_space<hbm>> -> memref<500288x128xf32, #tpu.memory_space<hbm>>
      tpu.wait_indirect_dma semaphore(%arg9 : memref<!tpu.dma_semaphore, #tpu.memory_space<semaphore_mem>>) src(%dma_wait3A_301 : memref<500288x128xf32, #tpu.memory_space<hbm>>) dst(%dma_wait3A_295 : memref<26x128xf32, #tpu.memory_space<vmem>>)
      %dma_start3A_302 = arith.constant 0 : i32
      %dma_start3A_303 = arith.constant 0 : i32
      %dma_start3A_304 = tpu.memref_slice %arg4[%add3A_13, %dma_start3A_302, %dma_start3A_303] : memref<16384x26x128xf32, #tpu.memory_space<hbm>> -> memref<8x26x128xf32, #tpu.memory_space<hbm>>
      %dma_start3A_305 = arith.constant 0 : i32
      %dma_start3A_306 = arith.constant 0 : i32
      %dma_start3A_307 = tpu.memref_slice %arg4[%add3A_13, %dma_start3A_305, %dma_start3A_306] : memref<16384x26x128xf32, #tpu.memory_space<hbm>> -> memref<8x26x128xf32, #tpu.memory_space<hbm>>
      tpu.enqueue_dma source(%arg7 : memref<8x26x128xf32, #tpu.memory_space<vmem>>) target(%dma_start3A_307 : memref<8x26x128xf32, #tpu.memory_space<hbm>>) target_semaphore(%arg11 : memref<!tpu.dma_semaphore, #tpu.memory_space<semaphore_mem>>)
      %dma_wait3A_308 = arith.constant 0 : i32
      %dma_wait3A_309 = arith.constant 0 : i32
      %dma_wait3A_310 = arith.constant 0 : i32
      %dma_wait3A_311 = arith.constant 0 : i32
      %dma_wait3A_312 = tpu.memref_slice %arg8[%dma_wait3A_309, %dma_wait3A_310, %dma_wait3A_311] : memref<8x26x128xf32, #tpu.memory_space<vmem>> -> memref<1x26x128xf32, #tpu.memory_space<vmem>>
      %dma_wait3A_313 = tpu.memref_squeeze %dma_wait3A_312 : memref<1x26x128xf32, #tpu.memory_space<vmem>> -> memref<26x128xf32, #tpu.memory_space<vmem>>
      %dma_wait3A_314 = arith.constant 0 : i32
      %dma_wait3A_315 = tpu.memref_slice %arg6[%dma_wait3A_308, %dma_wait3A_314] : memref<8x26xi32, #tpu.memory_space<vmem>> -> memref<1x26xi32, #tpu.memory_space<vmem>>
      %dma_wait3A_316 = tpu.memref_squeeze %dma_wait3A_315 : memref<1x26xi32, #tpu.memory_space<vmem>> -> memref<26xi32, #tpu.memory_space<vmem>>
      %dma_wait3A_317 = arith.constant 0 : i32
      %dma_wait3A_318 = arith.constant 0 : i32
      %dma_wait3A_319 = tpu.memref_slice %arg2[%dma_wait3A_317, %dma_wait3A_318] : memref<500288x128xf32, #tpu.memory_space<hbm>> -> memref<500288x128xf32, #tpu.memory_space<hbm>>
      tpu.wait_indirect_dma semaphore(%arg10 : memref<!tpu.dma_semaphore, #tpu.memory_space<semaphore_mem>>) src(%dma_wait3A_319 : memref<500288x128xf32, #tpu.memory_space<hbm>>) dst(%dma_wait3A_313 : memref<26x128xf32, #tpu.memory_space<vmem>>)
      %dma_wait3A_320 = arith.constant 1 : i32
      %dma_wait3A_321 = arith.constant 1 : i32
      %dma_wait3A_322 = arith.constant 0 : i32
      %dma_wait3A_323 = arith.constant 0 : i32
      %dma_wait3A_324 = tpu.memref_slice %arg8[%dma_wait3A_321, %dma_wait3A_322, %dma_wait3A_323] : memref<8x26x128xf32, #tpu.memory_space<vmem>> -> memref<1x26x128xf32, #tpu.memory_space<vmem>>
      %dma_wait3A_325 = tpu.memref_squeeze %dma_wait3A_324 : memref<1x26x128xf32, #tpu.memory_space<vmem>> -> memref<26x128xf32, #tpu.memory_space<vmem>>
      %dma_wait3A_326 = arith.constant 0 : i32
      %dma_wait3A_327 = tpu.memref_slice %arg6[%dma_wait3A_320, %dma_wait3A_326] : memref<8x26xi32, #tpu.memory_space<vmem>> -> memref<1x26xi32, #tpu.memory_space<vmem>>
      %dma_wait3A_328 = tpu.memref_squeeze %dma_wait3A_327 : memref<1x26xi32, #tpu.memory_space<vmem>> -> memref<26xi32, #tpu.memory_space<vmem>>
      %dma_wait3A_329 = arith.constant 0 : i32
      %dma_wait3A_330 = arith.constant 0 : i32
      %dma_wait3A_331 = tpu.memref_slice %arg2[%dma_wait3A_329, %dma_wait3A_330] : memref<500288x128xf32, #tpu.memory_space<hbm>> -> memref<500288x128xf32, #tpu.memory_space<hbm>>
      tpu.wait_indirect_dma semaphore(%arg10 : memref<!tpu.dma_semaphore, #tpu.memory_space<semaphore_mem>>) src(%dma_wait3A_331 : memref<500288x128xf32, #tpu.memory_space<hbm>>) dst(%dma_wait3A_325 : memref<26x128xf32, #tpu.memory_space<vmem>>)
      %dma_wait3A_332 = arith.constant 2 : i32
      %dma_wait3A_333 = arith.constant 2 : i32
      %dma_wait3A_334 = arith.constant 0 : i32
      %dma_wait3A_335 = arith.constant 0 : i32
      %dma_wait3A_336 = tpu.memref_slice %arg8[%dma_wait3A_333, %dma_wait3A_334, %dma_wait3A_335] : memref<8x26x128xf32, #tpu.memory_space<vmem>> -> memref<1x26x128xf32, #tpu.memory_space<vmem>>
      %dma_wait3A_337 = tpu.memref_squeeze %dma_wait3A_336 : memref<1x26x128xf32, #tpu.memory_space<vmem>> -> memref<26x128xf32, #tpu.memory_space<vmem>>
      %dma_wait3A_338 = arith.constant 0 : i32
      %dma_wait3A_339 = tpu.memref_slice %arg6[%dma_wait3A_332, %dma_wait3A_338] : memref<8x26xi32, #tpu.memory_space<vmem>> -> memref<1x26xi32, #tpu.memory_space<vmem>>
      %dma_wait3A_340 = tpu.memref_squeeze %dma_wait3A_339 : memref<1x26xi32, #tpu.memory_space<vmem>> -> memref<26xi32, #tpu.memory_space<vmem>>
      %dma_wait3A_341 = arith.constant 0 : i32
      %dma_wait3A_342 = arith.constant 0 : i32
      %dma_wait3A_343 = tpu.memref_slice %arg2[%dma_wait3A_341, %dma_wait3A_342] : memref<500288x128xf32, #tpu.memory_space<hbm>> -> memref<500288x128xf32, #tpu.memory_space<hbm>>
      tpu.wait_indirect_dma semaphore(%arg10 : memref<!tpu.dma_semaphore, #tpu.memory_space<semaphore_mem>>) src(%dma_wait3A_343 : memref<500288x128xf32, #tpu.memory_space<hbm>>) dst(%dma_wait3A_337 : memref<26x128xf32, #tpu.memory_space<vmem>>)
      %dma_wait3A_344 = arith.constant 3 : i32
      %dma_wait3A_345 = arith.constant 3 : i32
      %dma_wait3A_346 = arith.constant 0 : i32
      %dma_wait3A_347 = arith.constant 0 : i32
      %dma_wait3A_348 = tpu.memref_slice %arg8[%dma_wait3A_345, %dma_wait3A_346, %dma_wait3A_347] : memref<8x26x128xf32, #tpu.memory_space<vmem>> -> memref<1x26x128xf32, #tpu.memory_space<vmem>>
      %dma_wait3A_349 = tpu.memref_squeeze %dma_wait3A_348 : memref<1x26x128xf32, #tpu.memory_space<vmem>> -> memref<26x128xf32, #tpu.memory_space<vmem>>
      %dma_wait3A_350 = arith.constant 0 : i32
      %dma_wait3A_351 = tpu.memref_slice %arg6[%dma_wait3A_344, %dma_wait3A_350] : memref<8x26xi32, #tpu.memory_space<vmem>> -> memref<1x26xi32, #tpu.memory_space<vmem>>
      %dma_wait3A_352 = tpu.memref_squeeze %dma_wait3A_351 : memref<1x26xi32, #tpu.memory_space<vmem>> -> memref<26xi32, #tpu.memory_space<vmem>>
      %dma_wait3A_353 = arith.constant 0 : i32
      %dma_wait3A_354 = arith.constant 0 : i32
      %dma_wait3A_355 = tpu.memref_slice %arg2[%dma_wait3A_353, %dma_wait3A_354] : memref<500288x128xf32, #tpu.memory_space<hbm>> -> memref<500288x128xf32, #tpu.memory_space<hbm>>
      tpu.wait_indirect_dma semaphore(%arg10 : memref<!tpu.dma_semaphore, #tpu.memory_space<semaphore_mem>>) src(%dma_wait3A_355 : memref<500288x128xf32, #tpu.memory_space<hbm>>) dst(%dma_wait3A_349 : memref<26x128xf32, #tpu.memory_space<vmem>>)
      %dma_wait3A_356 = arith.constant 4 : i32
      %dma_wait3A_357 = arith.constant 4 : i32
      %dma_wait3A_358 = arith.constant 0 : i32
      %dma_wait3A_359 = arith.constant 0 : i32
      %dma_wait3A_360 = tpu.memref_slice %arg8[%dma_wait3A_357, %dma_wait3A_358, %dma_wait3A_359] : memref<8x26x128xf32, #tpu.memory_space<vmem>> -> memref<1x26x128xf32, #tpu.memory_space<vmem>>
      %dma_wait3A_361 = tpu.memref_squeeze %dma_wait3A_360 : memref<1x26x128xf32, #tpu.memory_space<vmem>> -> memref<26x128xf32, #tpu.memory_space<vmem>>
      %dma_wait3A_362 = arith.constant 0 : i32
      %dma_wait3A_363 = tpu.memref_slice %arg6[%dma_wait3A_356, %dma_wait3A_362] : memref<8x26xi32, #tpu.memory_space<vmem>> -> memref<1x26xi32, #tpu.memory_space<vmem>>
      %dma_wait3A_364 = tpu.memref_squeeze %dma_wait3A_363 : memref<1x26xi32, #tpu.memory_space<vmem>> -> memref<26xi32, #tpu.memory_space<vmem>>
      %dma_wait3A_365 = arith.constant 0 : i32
      %dma_wait3A_366 = arith.constant 0 : i32
      %dma_wait3A_367 = tpu.memref_slice %arg2[%dma_wait3A_365, %dma_wait3A_366] : memref<500288x128xf32, #tpu.memory_space<hbm>> -> memref<500288x128xf32, #tpu.memory_space<hbm>>
      tpu.wait_indirect_dma semaphore(%arg10 : memref<!tpu.dma_semaphore, #tpu.memory_space<semaphore_mem>>) src(%dma_wait3A_367 : memref<500288x128xf32, #tpu.memory_space<hbm>>) dst(%dma_wait3A_361 : memref<26x128xf32, #tpu.memory_space<vmem>>)
      %dma_wait3A_368 = arith.constant 5 : i32
      %dma_wait3A_369 = arith.constant 5 : i32
      %dma_wait3A_370 = arith.constant 0 : i32
      %dma_wait3A_371 = arith.constant 0 : i32
      %dma_wait3A_372 = tpu.memref_slice %arg8[%dma_wait3A_369, %dma_wait3A_370, %dma_wait3A_371] : memref<8x26x128xf32, #tpu.memory_space<vmem>> -> memref<1x26x128xf32, #tpu.memory_space<vmem>>
      %dma_wait3A_373 = tpu.memref_squeeze %dma_wait3A_372 : memref<1x26x128xf32, #tpu.memory_space<vmem>> -> memref<26x128xf32, #tpu.memory_space<vmem>>
      %dma_wait3A_374 = arith.constant 0 : i32
      %dma_wait3A_375 = tpu.memref_slice %arg6[%dma_wait3A_368, %dma_wait3A_374] : memref<8x26xi32, #tpu.memory_space<vmem>> -> memref<1x26xi32, #tpu.memory_space<vmem>>
      %dma_wait3A_376 = tpu.memref_squeeze %dma_wait3A_375 : memref<1x26xi32, #tpu.memory_space<vmem>> -> memref<26xi32, #tpu.memory_space<vmem>>
      %dma_wait3A_377 = arith.constant 0 : i32
      %dma_wait3A_378 = arith.constant 0 : i32
      %dma_wait3A_379 = tpu.memref_slice %arg2[%dma_wait3A_377, %dma_wait3A_378] : memref<500288x128xf32, #tpu.memory_space<hbm>> -> memref<500288x128xf32, #tpu.memory_space<hbm>>
      tpu.wait_indirect_dma semaphore(%arg10 : memref<!tpu.dma_semaphore, #tpu.memory_space<semaphore_mem>>) src(%dma_wait3A_379 : memref<500288x128xf32, #tpu.memory_space<hbm>>) dst(%dma_wait3A_373 : memref<26x128xf32, #tpu.memory_space<vmem>>)
      %dma_wait3A_380 = arith.constant 6 : i32
      %dma_wait3A_381 = arith.constant 6 : i32
      %dma_wait3A_382 = arith.constant 0 : i32
      %dma_wait3A_383 = arith.constant 0 : i32
      %dma_wait3A_384 = tpu.memref_slice %arg8[%dma_wait3A_381, %dma_wait3A_382, %dma_wait3A_383] : memref<8x26x128xf32, #tpu.memory_space<vmem>> -> memref<1x26x128xf32, #tpu.memory_space<vmem>>
      %dma_wait3A_385 = tpu.memref_squeeze %dma_wait3A_384 : memref<1x26x128xf32, #tpu.memory_space<vmem>> -> memref<26x128xf32, #tpu.memory_space<vmem>>
      %dma_wait3A_386 = arith.constant 0 : i32
      %dma_wait3A_387 = tpu.memref_slice %arg6[%dma_wait3A_380, %dma_wait3A_386] : memref<8x26xi32, #tpu.memory_space<vmem>> -> memref<1x26xi32, #tpu.memory_space<vmem>>
      %dma_wait3A_388 = tpu.memref_squeeze %dma_wait3A_387 : memref<1x26xi32, #tpu.memory_space<vmem>> -> memref<26xi32, #tpu.memory_space<vmem>>
      %dma_wait3A_389 = arith.constant 0 : i32
      %dma_wait3A_390 = arith.constant 0 : i32
      %dma_wait3A_391 = tpu.memref_slice %arg2[%dma_wait3A_389, %dma_wait3A_390] : memref<500288x128xf32, #tpu.memory_space<hbm>> -> memref<500288x128xf32, #tpu.memory_space<hbm>>
      tpu.wait_indirect_dma semaphore(%arg10 : memref<!tpu.dma_semaphore, #tpu.memory_space<semaphore_mem>>) src(%dma_wait3A_391 : memref<500288x128xf32, #tpu.memory_space<hbm>>) dst(%dma_wait3A_385 : memref<26x128xf32, #tpu.memory_space<vmem>>)
      %dma_wait3A_392 = arith.constant 7 : i32
      %dma_wait3A_393 = arith.constant 7 : i32
      %dma_wait3A_394 = arith.constant 0 : i32
      %dma_wait3A_395 = arith.constant 0 : i32
      %dma_wait3A_396 = tpu.memref_slice %arg8[%dma_wait3A_393, %dma_wait3A_394, %dma_wait3A_395] : memref<8x26x128xf32, #tpu.memory_space<vmem>> -> memref<1x26x128xf32, #tpu.memory_space<vmem>>
      %dma_wait3A_397 = tpu.memref_squeeze %dma_wait3A_396 : memref<1x26x128xf32, #tpu.memory_space<vmem>> -> memref<26x128xf32, #tpu.memory_space<vmem>>
      %dma_wait3A_398 = arith.constant 0 : i32
      %dma_wait3A_399 = tpu.memref_slice %arg6[%dma_wait3A_392, %dma_wait3A_398] : memref<8x26xi32, #tpu.memory_space<vmem>> -> memref<1x26xi32, #tpu.memory_space<vmem>>
      %dma_wait3A_400 = tpu.memref_squeeze %dma_wait3A_399 : memref<1x26xi32, #tpu.memory_space<vmem>> -> memref<26xi32, #tpu.memory_space<vmem>>
      %dma_wait3A_401 = arith.constant 0 : i32
      %dma_wait3A_402 = arith.constant 0 : i32
      %dma_wait3A_403 = tpu.memref_slice %arg2[%dma_wait3A_401, %dma_wait3A_402] : memref<500288x128xf32, #tpu.memory_space<hbm>> -> memref<500288x128xf32, #tpu.memory_space<hbm>>
      tpu.wait_indirect_dma semaphore(%arg10 : memref<!tpu.dma_semaphore, #tpu.memory_space<semaphore_mem>>) src(%dma_wait3A_403 : memref<500288x128xf32, #tpu.memory_space<hbm>>) dst(%dma_wait3A_397 : memref<26x128xf32, #tpu.memory_space<vmem>>)
      %dma_start3A_404 = arith.constant 0 : i32
      %dma_start3A_405 = arith.constant 0 : i32
      %dma_start3A_406 = tpu.memref_slice %arg4[%add3A_15, %dma_start3A_404, %dma_start3A_405] : memref<16384x26x128xf32, #tpu.memory_space<hbm>> -> memref<8x26x128xf32, #tpu.memory_space<hbm>>
      %dma_start3A_407 = arith.constant 0 : i32
      %dma_start3A_408 = arith.constant 0 : i32
      %dma_start3A_409 = tpu.memref_slice %arg4[%add3A_15, %dma_start3A_407, %dma_start3A_408] : memref<16384x26x128xf32, #tpu.memory_space<hbm>> -> memref<8x26x128xf32, #tpu.memory_space<hbm>>
      tpu.enqueue_dma source(%arg8 : memref<8x26x128xf32, #tpu.memory_space<vmem>>) target(%dma_start3A_409 : memref<8x26x128xf32, #tpu.memory_space<hbm>>) target_semaphore(%arg12 : memref<!tpu.dma_semaphore, #tpu.memory_space<semaphore_mem>>)
      %dma_wait3A_410 = arith.constant 0 : i32
      %dma_wait3A_411 = arith.constant 0 : i32
      %dma_wait3A_412 = tpu.memref_slice %arg4[%add3A_13, %dma_wait3A_410, %dma_wait3A_411] : memref<16384x26x128xf32, #tpu.memory_space<hbm>> -> memref<8x26x128xf32, #tpu.memory_space<hbm>>
      %dma_wait3A_413 = arith.constant 0 : i32
      %dma_wait3A_414 = arith.constant 0 : i32
      %dma_wait3A_415 = tpu.memref_slice %arg4[%add3A_13, %dma_wait3A_413, %dma_wait3A_414] : memref<16384x26x128xf32, #tpu.memory_space<hbm>> -> memref<8x26x128xf32, #tpu.memory_space<hbm>>
      tpu.wait_dma2 semaphore(%arg11 : memref<!tpu.dma_semaphore, #tpu.memory_space<semaphore_mem>>) src(%arg7 : memref<8x26x128xf32, #tpu.memory_space<vmem>>) dst(%dma_wait3A_415 : memref<8x26x128xf32, #tpu.memory_space<hbm>>)
      %dma_wait3A_416 = arith.constant 0 : i32
      %dma_wait3A_417 = arith.constant 0 : i32
      %dma_wait3A_418 = tpu.memref_slice %arg4[%add3A_15, %dma_wait3A_416, %dma_wait3A_417] : memref<16384x26x128xf32, #tpu.memory_space<hbm>> -> memref<8x26x128xf32, #tpu.memory_space<hbm>>
      %dma_wait3A_419 = arith.constant 0 : i32
      %dma_wait3A_420 = arith.constant 0 : i32
      %dma_wait3A_421 = tpu.memref_slice %arg4[%add3A_15, %dma_wait3A_419, %dma_wait3A_420] : memref<16384x26x128xf32, #tpu.memory_space<hbm>> -> memref<8x26x128xf32, #tpu.memory_space<hbm>>
      tpu.wait_dma2 semaphore(%arg12 : memref<!tpu.dma_semaphore, #tpu.memory_space<semaphore_mem>>) src(%arg8 : memref<8x26x128xf32, #tpu.memory_space<vmem>>) dst(%dma_wait3A_421 : memref<8x26x128xf32, #tpu.memory_space<hbm>>)
    }
    %scan3A_7 = arith.constant 32 : i32
    return
  }
}

module attributes {stable_mosaic.version = 14 : i64} {
  func.func @_transform_body(%arg0: i32, %arg1: memref<64x64xf32, #tpu.memory_space<vmem>>, %arg2: memref<1x64xf32, #tpu.memory_space<vmem>>, %arg3: memref<64x4096xf32, #tpu.memory_space<vmem>>, %arg4: memref<64x4096xf32, #tpu.memory_space<vmem>>, %arg5: memref<4096x128xf32, #tpu.memory_space<vmem>>) attributes {dimension_semantics = [#tpu.dimension_semantics<arbitrary>], iteration_bounds = array<i64: 123>, scalar_prefetch = 0 : i64, scratch_operands = 0 : i64, tpu.core_type = #tpu.core_type<tc>, window_params = [{pipeline_mode = #tpu.pipeline_mode<synchronous>, transform_indices = @transform_0, window_bounds = array<i64: 64, 64>}, {pipeline_mode = #tpu.pipeline_mode<synchronous>, transform_indices = @transform_1, window_bounds = array<i64: 1, 64>}, {transform_indices = @transform_2, window_bounds = array<i64: 64, 4096>}, {transform_indices = @transform_3, window_bounds = array<i64: 64, 4096>}, {transform_indices = @transform_4, window_bounds = array<i64: 4096, 128>}]} {
    %get3A = arith.constant 0 : index
    %get3A_0 = arith.constant 0 : index
    %get3A_1 = vector.load %arg3[%get3A, %get3A_0] : memref<64x4096xf32, #tpu.memory_space<vmem>>, vector<64x4096xf32>
    %get3A_2 = arith.constant 0 : index
    %get3A_3 = arith.constant 0 : index
    %get3A_4 = vector.load %arg1[%get3A_2, %get3A_3] : memref<64x64xf32, #tpu.memory_space<vmem>>, vector<64x64xf32>
    %dot_general3A = arith.constant dense<0.000000e+00> : vector<4096x64xf32>
    %dot_general3A_5 = tpu.matmul %get3A_1, %get3A_4, %dot_general3A {dimension_numbers = #tpu.dot_dimension_numbers<[0], [0], [1], [1], [0, 1, 1, 1], [], []>, transpose_lhs_hint = false} : vector<64x4096xf32>, vector<64x64xf32>, vector<4096x64xf32> -> vector<4096x64xf32>
    %get3A_6 = arith.constant 0 : index
    %get3A_7 = arith.constant 0 : index
    %get3A_8 = vector.load %arg2[%get3A_6, %get3A_7] : memref<1x64xf32, #tpu.memory_space<vmem>>, vector<1x64xf32>
    %add3A = vector.broadcast %get3A_8 : vector<1x64xf32> to vector<4096x64xf32>
    %add3A_9 = arith.addf %dot_general3A_5, %add3A : vector<4096x64xf32>
    %get3A_10 = arith.constant 0 : index
    %get3A_11 = arith.constant 0 : index
    %get3A_12 = vector.load %arg4[%get3A_10, %get3A_11] : memref<64x4096xf32, #tpu.memory_space<vmem>>, vector<64x4096xf32>
    %get3A_13 = arith.constant 0 : index
    %get3A_14 = arith.constant 0 : index
    %get3A_15 = vector.load %arg1[%get3A_13, %get3A_14] : memref<64x64xf32, #tpu.memory_space<vmem>>, vector<64x64xf32>
    %dot_general3A_16 = arith.constant dense<0.000000e+00> : vector<4096x64xf32>
    %dot_general3A_17 = tpu.matmul %get3A_12, %get3A_15, %dot_general3A_16 {dimension_numbers = #tpu.dot_dimension_numbers<[0], [0], [1], [1], [0, 1, 1, 1], [], []>, transpose_lhs_hint = false} : vector<64x4096xf32>, vector<64x64xf32>, vector<4096x64xf32> -> vector<4096x64xf32>
    %get3A_18 = arith.constant 0 : index
    %get3A_19 = arith.constant 0 : index
    %get3A_20 = vector.load %arg2[%get3A_18, %get3A_19] : memref<1x64xf32, #tpu.memory_space<vmem>>, vector<1x64xf32>
    %add3A_21 = vector.broadcast %get3A_20 : vector<1x64xf32> to vector<4096x64xf32>
    %add3A_22 = arith.addf %dot_general3A_17, %add3A_21 : vector<4096x64xf32>
    %concatenate3A = tpu.concatenate %add3A_9, %add3A_22 in 1 : vector<4096x64xf32>, vector<4096x64xf32> -> vector<4096x128xf32>
    %swap3A = arith.constant 0 : index
    %swap3A_23 = arith.constant 0 : index
    %swap3A_24 = vector.load %arg5[%swap3A, %swap3A_23] : memref<4096x128xf32, #tpu.memory_space<vmem>>, vector<4096x128xf32>
    tpu.vector_store %arg5[%swap3A, %swap3A_23], %concatenate3A {strides = array<i32>} : memref<4096x128xf32, #tpu.memory_space<vmem>>, vector<4096x128xf32>,
    return
  }
  func.func @transform_0(%arg0: i32) -> (i32, i32) {
    %c0_i32 = arith.constant 0 : i32
    %c0_i32_0 = arith.constant 0 : i32
    %c0_i32_1 = arith.constant 0 : i32
    return %c0_i32, %c0_i32_0 : i32, i32
  }
  func.func @transform_1(%arg0: i32) -> (i32, i32) {
    %c0_i32 = arith.constant 0 : i32
    %c0_i32_0 = arith.constant 0 : i32
    %c0_i32_1 = arith.constant 0 : i32
    return %c0_i32, %c0_i32_0 : i32, i32
  }
  func.func @transform_2(%arg0: i32) -> (i32, i32) {
    %c0_i32 = arith.constant 0 : i32
    %c0_i32_0 = arith.constant 0 : i32
    return %c0_i32, %arg0 : i32, i32
  }
  func.func @transform_3(%arg0: i32) -> (i32, i32) {
    %add3A = arith.constant 122 : i32
    %add3A_0 = arith.addi %add3A, %arg0 : i32
    %c0_i32 = arith.constant 0 : i32
    %c0_i32_1 = arith.constant 0 : i32
    return %c0_i32, %add3A_0 : i32, i32
  }
  func.func @transform_4(%arg0: i32) -> (i32, i32) {
    %c0_i32 = arith.constant 0 : i32
    %c0_i32_0 = arith.constant 0 : i32
    return %arg0, %c0_i32 : i32, i32
  }
}

module attributes {stable_mosaic.version = 14 : i64} {
  func.func @_p3_body(%arg0: i32, %arg1: memref<512x26x128xf32, #tpu.memory_space<vmem>>, %arg2: memref<512x26xi32, #tpu.memory_space<vmem>>, %arg3: memref<64x64xf32, #tpu.memory_space<vmem>>, %arg4: memref<26x64x512xf32, #tpu.memory_space<vmem>>) attributes {dimension_semantics = [#tpu.dimension_semantics<arbitrary>], iteration_bounds = array<i64: 32>, scalar_prefetch = 0 : i64, scratch_operands = 0 : i64, tpu.core_type = #tpu.core_type<tc>, window_params = [{transform_indices = @transform_0, window_bounds = array<i64: 512, 26, 128>}, {transform_indices = @transform_1, window_bounds = array<i64: 512, 26>}, {pipeline_mode = #tpu.pipeline_mode<synchronous>, transform_indices = @transform_2, window_bounds = array<i64: 64, 64>}, {transform_indices = @transform_3, window_bounds = array<i64: 26, 64, 512>}]} {
    %get3A = arith.constant 0 : index
    %get3A_0 = arith.constant 0 : index
    %get3A_1 = arith.constant 0 : index
    %get3A_2 = vector.load %arg1[%get3A, %get3A_0, %get3A_1] : memref<512x26x128xf32, #tpu.memory_space<vmem>>, vector<512x26x128xf32>
    %get3A_3 = arith.constant 0 : index
    %get3A_4 = arith.constant 0 : index
    %get3A_5 = vector.load %arg2[%get3A_3, %get3A_4] : memref<512x26xi32, #tpu.memory_space<vmem>>, vector<512x26xi32>
    %ge3A = arith.constant 499712 : i32
    %ge3A_6 = vector.broadcast %ge3A : i32 to vector<512x26xi32>
    %ge3A_7 = arith.cmpi sge, %get3A_5, %ge3A_6 : vector<512x26xi32>
    %get3A_8 = arith.constant 0 : index
    %get3A_9 = arith.constant 0 : index
    %get3A_10 = vector.load %arg3[%get3A_8, %get3A_9] : memref<64x64xf32, #tpu.memory_space<vmem>>, vector<64x64xf32>
    %slice3A = vector.extract_strided_slice %get3A_2 {offsets = [0, 0, 0], sizes = [512, 1, 128], strides = [1, 1, 1]} : vector<512x26x128xf32> to vector<512x1x128xf32>
    %squeeze3A = vector.shape_cast %slice3A : vector<512x1x128xf32> to vector<512x128xf32>
    %slice3A_11 = vector.extract_strided_slice %ge3A_7 {offsets = [0, 0], sizes = [512, 1], strides = [1, 1]} : vector<512x26xi1> to vector<512x1xi1>
    %squeeze3A_12 = vector.shape_cast %slice3A_11 : vector<512x1xi1> to vector<512xi1>
    %broadcast_in_dim3A = vector.shape_cast %squeeze3A_12 : vector<512xi1> to vector<512x1xi1>
    %slice3A_13 = vector.extract_strided_slice %squeeze3A {offsets = [0, 64], sizes = [512, 64], strides = [1, 1]} : vector<512x128xf32> to vector<512x64xf32>
    %slice3A_14 = vector.extract_strided_slice %squeeze3A {offsets = [0, 0], sizes = [512, 64], strides = [1, 1]} : vector<512x128xf32> to vector<512x64xf32>
    %broadcast_in_dim3A_15 = vector.shape_cast %broadcast_in_dim3A : vector<512x1xi1> to vector<512x1xi1>
    %broadcast_in_dim3A_16 = vector.broadcast %broadcast_in_dim3A_15 : vector<512x1xi1> to vector<512x64xi1>
    %select_n3A = arith.select %broadcast_in_dim3A_16, %slice3A_13, %slice3A_14 : vector<512x64xi1>, vector<512x64xf32>
    %dot_general3A = arith.constant dense<0.000000e+00> : vector<64x512xf32>
    %dot_general3A_17 = tpu.matmul %get3A_10, %select_n3A, %dot_general3A {dimension_numbers = #tpu.dot_dimension_numbers<[1], [1], [0], [0], [0, 0, 1, 0], [], []>, transpose_lhs_hint = false} : vector<64x64xf32>, vector<512x64xf32>, vector<64x512xf32> -> vector<64x512xf32>
    %swap3A = arith.constant 0 : index
    %swap3A_18 = arith.constant 0 : index
    %swap3A_19 = arith.constant 0 : index
    %swap3A_20 = vector.load %arg4[%swap3A, %swap3A_18, %swap3A_19] : memref<26x64x512xf32, #tpu.memory_space<vmem>>, vector<1x64x512xf32>
    %swap3A_21 = vector.shape_cast %swap3A_20 : vector<1x64x512xf32> to vector<64x512xf32>
    %swap3A_22 = vector.shape_cast %dot_general3A_17 : vector<64x512xf32> to vector<1x64x512xf32>
    tpu.vector_store %arg4[%swap3A, %swap3A_18, %swap3A_19], %swap3A_22 {strides = array<i32>} : memref<26x64x512xf32, #tpu.memory_space<vmem>>, vector<1x64x512xf32>,
    %slice3A_23 = vector.extract_strided_slice %get3A_2 {offsets = [0, 1, 0], sizes = [512, 1, 128], strides = [1, 1, 1]} : vector<512x26x128xf32> to vector<512x1x128xf32>
    %squeeze3A_24 = vector.shape_cast %slice3A_23 : vector<512x1x128xf32> to vector<512x128xf32>
    %slice3A_25 = vector.extract_strided_slice %ge3A_7 {offsets = [0, 1], sizes = [512, 1], strides = [1, 1]} : vector<512x26xi1> to vector<512x1xi1>
    %squeeze3A_26 = vector.shape_cast %slice3A_25 : vector<512x1xi1> to vector<512xi1>
    %broadcast_in_dim3A_27 = vector.shape_cast %squeeze3A_26 : vector<512xi1> to vector<512x1xi1>
    %slice3A_28 = vector.extract_strided_slice %squeeze3A_24 {offsets = [0, 64], sizes = [512, 64], strides = [1, 1]} : vector<512x128xf32> to vector<512x64xf32>
    %slice3A_29 = vector.extract_strided_slice %squeeze3A_24 {offsets = [0, 0], sizes = [512, 64], strides = [1, 1]} : vector<512x128xf32> to vector<512x64xf32>
    %broadcast_in_dim3A_30 = vector.shape_cast %broadcast_in_dim3A_27 : vector<512x1xi1> to vector<512x1xi1>
    %broadcast_in_dim3A_31 = vector.broadcast %broadcast_in_dim3A_30 : vector<512x1xi1> to vector<512x64xi1>
    %select_n3A_32 = arith.select %broadcast_in_dim3A_31, %slice3A_28, %slice3A_29 : vector<512x64xi1>, vector<512x64xf32>
    %dot_general3A_33 = arith.constant dense<0.000000e+00> : vector<64x512xf32>
    %dot_general3A_34 = tpu.matmul %get3A_10, %select_n3A_32, %dot_general3A_33 {dimension_numbers = #tpu.dot_dimension_numbers<[1], [1], [0], [0], [0, 0, 1, 0], [], []>, transpose_lhs_hint = false} : vector<64x64xf32>, vector<512x64xf32>, vector<64x512xf32> -> vector<64x512xf32>
    %swap3A_35 = arith.constant 1 : index
    %swap3A_36 = arith.constant 0 : index
    %swap3A_37 = arith.constant 0 : index
    %swap3A_38 = vector.load %arg4[%swap3A_35, %swap3A_36, %swap3A_37] : memref<26x64x512xf32, #tpu.memory_space<vmem>>, vector<1x64x512xf32>
    %swap3A_39 = vector.shape_cast %swap3A_38 : vector<1x64x512xf32> to vector<64x512xf32>
    %swap3A_40 = vector.shape_cast %dot_general3A_34 : vector<64x512xf32> to vector<1x64x512xf32>
    tpu.vector_store %arg4[%swap3A_35, %swap3A_36, %swap3A_37], %swap3A_40 {strides = array<i32>} : memref<26x64x512xf32, #tpu.memory_space<vmem>>, vector<1x64x512xf32>,
    %slice3A_41 = vector.extract_strided_slice %get3A_2 {offsets = [0, 2, 0], sizes = [512, 1, 128], strides = [1, 1, 1]} : vector<512x26x128xf32> to vector<512x1x128xf32>
    %squeeze3A_42 = vector.shape_cast %slice3A_41 : vector<512x1x128xf32> to vector<512x128xf32>
    %slice3A_43 = vector.extract_strided_slice %ge3A_7 {offsets = [0, 2], sizes = [512, 1], strides = [1, 1]} : vector<512x26xi1> to vector<512x1xi1>
    %squeeze3A_44 = vector.shape_cast %slice3A_43 : vector<512x1xi1> to vector<512xi1>
    %broadcast_in_dim3A_45 = vector.shape_cast %squeeze3A_44 : vector<512xi1> to vector<512x1xi1>
    %slice3A_46 = vector.extract_strided_slice %squeeze3A_42 {offsets = [0, 64], sizes = [512, 64], strides = [1, 1]} : vector<512x128xf32> to vector<512x64xf32>
    %slice3A_47 = vector.extract_strided_slice %squeeze3A_42 {offsets = [0, 0], sizes = [512, 64], strides = [1, 1]} : vector<512x128xf32> to vector<512x64xf32>
    %broadcast_in_dim3A_48 = vector.shape_cast %broadcast_in_dim3A_45 : vector<512x1xi1> to vector<512x1xi1>
    %broadcast_in_dim3A_49 = vector.broadcast %broadcast_in_dim3A_48 : vector<512x1xi1> to vector<512x64xi1>
    %select_n3A_50 = arith.select %broadcast_in_dim3A_49, %slice3A_46, %slice3A_47 : vector<512x64xi1>, vector<512x64xf32>
    %dot_general3A_51 = arith.constant dense<0.000000e+00> : vector<64x512xf32>
    %dot_general3A_52 = tpu.matmul %get3A_10, %select_n3A_50, %dot_general3A_51 {dimension_numbers = #tpu.dot_dimension_numbers<[1], [1], [0], [0], [0, 0, 1, 0], [], []>, transpose_lhs_hint = false} : vector<64x64xf32>, vector<512x64xf32>, vector<64x512xf32> -> vector<64x512xf32>
    %swap3A_53 = arith.constant 2 : index
    %swap3A_54 = arith.constant 0 : index
    %swap3A_55 = arith.constant 0 : index
    %swap3A_56 = vector.load %arg4[%swap3A_53, %swap3A_54, %swap3A_55] : memref<26x64x512xf32, #tpu.memory_space<vmem>>, vector<1x64x512xf32>
    %swap3A_57 = vector.shape_cast %swap3A_56 : vector<1x64x512xf32> to vector<64x512xf32>
    %swap3A_58 = vector.shape_cast %dot_general3A_52 : vector<64x512xf32> to vector<1x64x512xf32>
    tpu.vector_store %arg4[%swap3A_53, %swap3A_54, %swap3A_55], %swap3A_58 {strides = array<i32>} : memref<26x64x512xf32, #tpu.memory_space<vmem>>, vector<1x64x512xf32>,
    %slice3A_59 = vector.extract_strided_slice %get3A_2 {offsets = [0, 3, 0], sizes = [512, 1, 128], strides = [1, 1, 1]} : vector<512x26x128xf32> to vector<512x1x128xf32>
    %squeeze3A_60 = vector.shape_cast %slice3A_59 : vector<512x1x128xf32> to vector<512x128xf32>
    %slice3A_61 = vector.extract_strided_slice %ge3A_7 {offsets = [0, 3], sizes = [512, 1], strides = [1, 1]} : vector<512x26xi1> to vector<512x1xi1>
    %squeeze3A_62 = vector.shape_cast %slice3A_61 : vector<512x1xi1> to vector<512xi1>
    %broadcast_in_dim3A_63 = vector.shape_cast %squeeze3A_62 : vector<512xi1> to vector<512x1xi1>
    %slice3A_64 = vector.extract_strided_slice %squeeze3A_60 {offsets = [0, 64], sizes = [512, 64], strides = [1, 1]} : vector<512x128xf32> to vector<512x64xf32>
    %slice3A_65 = vector.extract_strided_slice %squeeze3A_60 {offsets = [0, 0], sizes = [512, 64], strides = [1, 1]} : vector<512x128xf32> to vector<512x64xf32>
    %broadcast_in_dim3A_66 = vector.shape_cast %broadcast_in_dim3A_63 : vector<512x1xi1> to vector<512x1xi1>
    %broadcast_in_dim3A_67 = vector.broadcast %broadcast_in_dim3A_66 : vector<512x1xi1> to vector<512x64xi1>
    %select_n3A_68 = arith.select %broadcast_in_dim3A_67, %slice3A_64, %slice3A_65 : vector<512x64xi1>, vector<512x64xf32>
    %dot_general3A_69 = arith.constant dense<0.000000e+00> : vector<64x512xf32>
    %dot_general3A_70 = tpu.matmul %get3A_10, %select_n3A_68, %dot_general3A_69 {dimension_numbers = #tpu.dot_dimension_numbers<[1], [1], [0], [0], [0, 0, 1, 0], [], []>, transpose_lhs_hint = false} : vector<64x64xf32>, vector<512x64xf32>, vector<64x512xf32> -> vector<64x512xf32>
    %swap3A_71 = arith.constant 3 : index
    %swap3A_72 = arith.constant 0 : index
    %swap3A_73 = arith.constant 0 : index
    %swap3A_74 = vector.load %arg4[%swap3A_71, %swap3A_72, %swap3A_73] : memref<26x64x512xf32, #tpu.memory_space<vmem>>, vector<1x64x512xf32>
    %swap3A_75 = vector.shape_cast %swap3A_74 : vector<1x64x512xf32> to vector<64x512xf32>
    %swap3A_76 = vector.shape_cast %dot_general3A_70 : vector<64x512xf32> to vector<1x64x512xf32>
    tpu.vector_store %arg4[%swap3A_71, %swap3A_72, %swap3A_73], %swap3A_76 {strides = array<i32>} : memref<26x64x512xf32, #tpu.memory_space<vmem>>, vector<1x64x512xf32>,
    %slice3A_77 = vector.extract_strided_slice %get3A_2 {offsets = [0, 4, 0], sizes = [512, 1, 128], strides = [1, 1, 1]} : vector<512x26x128xf32> to vector<512x1x128xf32>
    %squeeze3A_78 = vector.shape_cast %slice3A_77 : vector<512x1x128xf32> to vector<512x128xf32>
    %slice3A_79 = vector.extract_strided_slice %ge3A_7 {offsets = [0, 4], sizes = [512, 1], strides = [1, 1]} : vector<512x26xi1> to vector<512x1xi1>
    %squeeze3A_80 = vector.shape_cast %slice3A_79 : vector<512x1xi1> to vector<512xi1>
    %broadcast_in_dim3A_81 = vector.shape_cast %squeeze3A_80 : vector<512xi1> to vector<512x1xi1>
    %slice3A_82 = vector.extract_strided_slice %squeeze3A_78 {offsets = [0, 64], sizes = [512, 64], strides = [1, 1]} : vector<512x128xf32> to vector<512x64xf32>
    %slice3A_83 = vector.extract_strided_slice %squeeze3A_78 {offsets = [0, 0], sizes = [512, 64], strides = [1, 1]} : vector<512x128xf32> to vector<512x64xf32>
    %broadcast_in_dim3A_84 = vector.shape_cast %broadcast_in_dim3A_81 : vector<512x1xi1> to vector<512x1xi1>
    %broadcast_in_dim3A_85 = vector.broadcast %broadcast_in_dim3A_84 : vector<512x1xi1> to vector<512x64xi1>
    %select_n3A_86 = arith.select %broadcast_in_dim3A_85, %slice3A_82, %slice3A_83 : vector<512x64xi1>, vector<512x64xf32>
    %dot_general3A_87 = arith.constant dense<0.000000e+00> : vector<64x512xf32>
    %dot_general3A_88 = tpu.matmul %get3A_10, %select_n3A_86, %dot_general3A_87 {dimension_numbers = #tpu.dot_dimension_numbers<[1], [1], [0], [0], [0, 0, 1, 0], [], []>, transpose_lhs_hint = false} : vector<64x64xf32>, vector<512x64xf32>, vector<64x512xf32> -> vector<64x512xf32>
    %swap3A_89 = arith.constant 4 : index
    %swap3A_90 = arith.constant 0 : index
    %swap3A_91 = arith.constant 0 : index
    %swap3A_92 = vector.load %arg4[%swap3A_89, %swap3A_90, %swap3A_91] : memref<26x64x512xf32, #tpu.memory_space<vmem>>, vector<1x64x512xf32>
    %swap3A_93 = vector.shape_cast %swap3A_92 : vector<1x64x512xf32> to vector<64x512xf32>
    %swap3A_94 = vector.shape_cast %dot_general3A_88 : vector<64x512xf32> to vector<1x64x512xf32>
    tpu.vector_store %arg4[%swap3A_89, %swap3A_90, %swap3A_91], %swap3A_94 {strides = array<i32>} : memref<26x64x512xf32, #tpu.memory_space<vmem>>, vector<1x64x512xf32>,
    %slice3A_95 = vector.extract_strided_slice %get3A_2 {offsets = [0, 5, 0], sizes = [512, 1, 128], strides = [1, 1, 1]} : vector<512x26x128xf32> to vector<512x1x128xf32>
    %squeeze3A_96 = vector.shape_cast %slice3A_95 : vector<512x1x128xf32> to vector<512x128xf32>
    %slice3A_97 = vector.extract_strided_slice %ge3A_7 {offsets = [0, 5], sizes = [512, 1], strides = [1, 1]} : vector<512x26xi1> to vector<512x1xi1>
    %squeeze3A_98 = vector.shape_cast %slice3A_97 : vector<512x1xi1> to vector<512xi1>
    %broadcast_in_dim3A_99 = vector.shape_cast %squeeze3A_98 : vector<512xi1> to vector<512x1xi1>
    %slice3A_100 = vector.extract_strided_slice %squeeze3A_96 {offsets = [0, 64], sizes = [512, 64], strides = [1, 1]} : vector<512x128xf32> to vector<512x64xf32>
    %slice3A_101 = vector.extract_strided_slice %squeeze3A_96 {offsets = [0, 0], sizes = [512, 64], strides = [1, 1]} : vector<512x128xf32> to vector<512x64xf32>
    %broadcast_in_dim3A_102 = vector.shape_cast %broadcast_in_dim3A_99 : vector<512x1xi1> to vector<512x1xi1>
    %broadcast_in_dim3A_103 = vector.broadcast %broadcast_in_dim3A_102 : vector<512x1xi1> to vector<512x64xi1>
    %select_n3A_104 = arith.select %broadcast_in_dim3A_103, %slice3A_100, %slice3A_101 : vector<512x64xi1>, vector<512x64xf32>
    %dot_general3A_105 = arith.constant dense<0.000000e+00> : vector<64x512xf32>
    %dot_general3A_106 = tpu.matmul %get3A_10, %select_n3A_104, %dot_general3A_105 {dimension_numbers = #tpu.dot_dimension_numbers<[1], [1], [0], [0], [0, 0, 1, 0], [], []>, transpose_lhs_hint = false} : vector<64x64xf32>, vector<512x64xf32>, vector<64x512xf32> -> vector<64x512xf32>
    %swap3A_107 = arith.constant 5 : index
    %swap3A_108 = arith.constant 0 : index
    %swap3A_109 = arith.constant 0 : index
    %swap3A_110 = vector.load %arg4[%swap3A_107, %swap3A_108, %swap3A_109] : memref<26x64x512xf32, #tpu.memory_space<vmem>>, vector<1x64x512xf32>
    %swap3A_111 = vector.shape_cast %swap3A_110 : vector<1x64x512xf32> to vector<64x512xf32>
    %swap3A_112 = vector.shape_cast %dot_general3A_106 : vector<64x512xf32> to vector<1x64x512xf32>
    tpu.vector_store %arg4[%swap3A_107, %swap3A_108, %swap3A_109], %swap3A_112 {strides = array<i32>} : memref<26x64x512xf32, #tpu.memory_space<vmem>>, vector<1x64x512xf32>,
    %slice3A_113 = vector.extract_strided_slice %get3A_2 {offsets = [0, 6, 0], sizes = [512, 1, 128], strides = [1, 1, 1]} : vector<512x26x128xf32> to vector<512x1x128xf32>
    %squeeze3A_114 = vector.shape_cast %slice3A_113 : vector<512x1x128xf32> to vector<512x128xf32>
    %slice3A_115 = vector.extract_strided_slice %ge3A_7 {offsets = [0, 6], sizes = [512, 1], strides = [1, 1]} : vector<512x26xi1> to vector<512x1xi1>
    %squeeze3A_116 = vector.shape_cast %slice3A_115 : vector<512x1xi1> to vector<512xi1>
    %broadcast_in_dim3A_117 = vector.shape_cast %squeeze3A_116 : vector<512xi1> to vector<512x1xi1>
    %slice3A_118 = vector.extract_strided_slice %squeeze3A_114 {offsets = [0, 64], sizes = [512, 64], strides = [1, 1]} : vector<512x128xf32> to vector<512x64xf32>
    %slice3A_119 = vector.extract_strided_slice %squeeze3A_114 {offsets = [0, 0], sizes = [512, 64], strides = [1, 1]} : vector<512x128xf32> to vector<512x64xf32>
    %broadcast_in_dim3A_120 = vector.shape_cast %broadcast_in_dim3A_117 : vector<512x1xi1> to vector<512x1xi1>
    %broadcast_in_dim3A_121 = vector.broadcast %broadcast_in_dim3A_120 : vector<512x1xi1> to vector<512x64xi1>
    %select_n3A_122 = arith.select %broadcast_in_dim3A_121, %slice3A_118, %slice3A_119 : vector<512x64xi1>, vector<512x64xf32>
    %dot_general3A_123 = arith.constant dense<0.000000e+00> : vector<64x512xf32>
    %dot_general3A_124 = tpu.matmul %get3A_10, %select_n3A_122, %dot_general3A_123 {dimension_numbers = #tpu.dot_dimension_numbers<[1], [1], [0], [0], [0, 0, 1, 0], [], []>, transpose_lhs_hint = false} : vector<64x64xf32>, vector<512x64xf32>, vector<64x512xf32> -> vector<64x512xf32>
    %swap3A_125 = arith.constant 6 : index
    %swap3A_126 = arith.constant 0 : index
    %swap3A_127 = arith.constant 0 : index
    %swap3A_128 = vector.load %arg4[%swap3A_125, %swap3A_126, %swap3A_127] : memref<26x64x512xf32, #tpu.memory_space<vmem>>, vector<1x64x512xf32>
    %swap3A_129 = vector.shape_cast %swap3A_128 : vector<1x64x512xf32> to vector<64x512xf32>
    %swap3A_130 = vector.shape_cast %dot_general3A_124 : vector<64x512xf32> to vector<1x64x512xf32>
    tpu.vector_store %arg4[%swap3A_125, %swap3A_126, %swap3A_127], %swap3A_130 {strides = array<i32>} : memref<26x64x512xf32, #tpu.memory_space<vmem>>, vector<1x64x512xf32>,
    %slice3A_131 = vector.extract_strided_slice %get3A_2 {offsets = [0, 7, 0], sizes = [512, 1, 128], strides = [1, 1, 1]} : vector<512x26x128xf32> to vector<512x1x128xf32>
    %squeeze3A_132 = vector.shape_cast %slice3A_131 : vector<512x1x128xf32> to vector<512x128xf32>
    %slice3A_133 = vector.extract_strided_slice %ge3A_7 {offsets = [0, 7], sizes = [512, 1], strides = [1, 1]} : vector<512x26xi1> to vector<512x1xi1>
    %squeeze3A_134 = vector.shape_cast %slice3A_133 : vector<512x1xi1> to vector<512xi1>
    %broadcast_in_dim3A_135 = vector.shape_cast %squeeze3A_134 : vector<512xi1> to vector<512x1xi1>
    %slice3A_136 = vector.extract_strided_slice %squeeze3A_132 {offsets = [0, 64], sizes = [512, 64], strides = [1, 1]} : vector<512x128xf32> to vector<512x64xf32>
    %slice3A_137 = vector.extract_strided_slice %squeeze3A_132 {offsets = [0, 0], sizes = [512, 64], strides = [1, 1]} : vector<512x128xf32> to vector<512x64xf32>
    %broadcast_in_dim3A_138 = vector.shape_cast %broadcast_in_dim3A_135 : vector<512x1xi1> to vector<512x1xi1>
    %broadcast_in_dim3A_139 = vector.broadcast %broadcast_in_dim3A_138 : vector<512x1xi1> to vector<512x64xi1>
    %select_n3A_140 = arith.select %broadcast_in_dim3A_139, %slice3A_136, %slice3A_137 : vector<512x64xi1>, vector<512x64xf32>
    %dot_general3A_141 = arith.constant dense<0.000000e+00> : vector<64x512xf32>
    %dot_general3A_142 = tpu.matmul %get3A_10, %select_n3A_140, %dot_general3A_141 {dimension_numbers = #tpu.dot_dimension_numbers<[1], [1], [0], [0], [0, 0, 1, 0], [], []>, transpose_lhs_hint = false} : vector<64x64xf32>, vector<512x64xf32>, vector<64x512xf32> -> vector<64x512xf32>
    %swap3A_143 = arith.constant 7 : index
    %swap3A_144 = arith.constant 0 : index
    %swap3A_145 = arith.constant 0 : index
    %swap3A_146 = vector.load %arg4[%swap3A_143, %swap3A_144, %swap3A_145] : memref<26x64x512xf32, #tpu.memory_space<vmem>>, vector<1x64x512xf32>
    %swap3A_147 = vector.shape_cast %swap3A_146 : vector<1x64x512xf32> to vector<64x512xf32>
    %swap3A_148 = vector.shape_cast %dot_general3A_142 : vector<64x512xf32> to vector<1x64x512xf32>
    tpu.vector_store %arg4[%swap3A_143, %swap3A_144, %swap3A_145], %swap3A_148 {strides = array<i32>} : memref<26x64x512xf32, #tpu.memory_space<vmem>>, vector<1x64x512xf32>,
    %slice3A_149 = vector.extract_strided_slice %get3A_2 {offsets = [0, 8, 0], sizes = [512, 1, 128], strides = [1, 1, 1]} : vector<512x26x128xf32> to vector<512x1x128xf32>
    %squeeze3A_150 = vector.shape_cast %slice3A_149 : vector<512x1x128xf32> to vector<512x128xf32>
    %slice3A_151 = vector.extract_strided_slice %ge3A_7 {offsets = [0, 8], sizes = [512, 1], strides = [1, 1]} : vector<512x26xi1> to vector<512x1xi1>
    %squeeze3A_152 = vector.shape_cast %slice3A_151 : vector<512x1xi1> to vector<512xi1>
    %broadcast_in_dim3A_153 = vector.shape_cast %squeeze3A_152 : vector<512xi1> to vector<512x1xi1>
    %slice3A_154 = vector.extract_strided_slice %squeeze3A_150 {offsets = [0, 64], sizes = [512, 64], strides = [1, 1]} : vector<512x128xf32> to vector<512x64xf32>
    %slice3A_155 = vector.extract_strided_slice %squeeze3A_150 {offsets = [0, 0], sizes = [512, 64], strides = [1, 1]} : vector<512x128xf32> to vector<512x64xf32>
    %broadcast_in_dim3A_156 = vector.shape_cast %broadcast_in_dim3A_153 : vector<512x1xi1> to vector<512x1xi1>
    %broadcast_in_dim3A_157 = vector.broadcast %broadcast_in_dim3A_156 : vector<512x1xi1> to vector<512x64xi1>
    %select_n3A_158 = arith.select %broadcast_in_dim3A_157, %slice3A_154, %slice3A_155 : vector<512x64xi1>, vector<512x64xf32>
    %dot_general3A_159 = arith.constant dense<0.000000e+00> : vector<64x512xf32>
    %dot_general3A_160 = tpu.matmul %get3A_10, %select_n3A_158, %dot_general3A_159 {dimension_numbers = #tpu.dot_dimension_numbers<[1], [1], [0], [0], [0, 0, 1, 0], [], []>, transpose_lhs_hint = false} : vector<64x64xf32>, vector<512x64xf32>, vector<64x512xf32> -> vector<64x512xf32>
    %swap3A_161 = arith.constant 8 : index
    %swap3A_162 = arith.constant 0 : index
    %swap3A_163 = arith.constant 0 : index
    %swap3A_164 = vector.load %arg4[%swap3A_161, %swap3A_162, %swap3A_163] : memref<26x64x512xf32, #tpu.memory_space<vmem>>, vector<1x64x512xf32>
    %swap3A_165 = vector.shape_cast %swap3A_164 : vector<1x64x512xf32> to vector<64x512xf32>
    %swap3A_166 = vector.shape_cast %dot_general3A_160 : vector<64x512xf32> to vector<1x64x512xf32>
    tpu.vector_store %arg4[%swap3A_161, %swap3A_162, %swap3A_163], %swap3A_166 {strides = array<i32>} : memref<26x64x512xf32, #tpu.memory_space<vmem>>, vector<1x64x512xf32>,
    %slice3A_167 = vector.extract_strided_slice %get3A_2 {offsets = [0, 9, 0], sizes = [512, 1, 128], strides = [1, 1, 1]} : vector<512x26x128xf32> to vector<512x1x128xf32>
    %squeeze3A_168 = vector.shape_cast %slice3A_167 : vector<512x1x128xf32> to vector<512x128xf32>
    %slice3A_169 = vector.extract_strided_slice %ge3A_7 {offsets = [0, 9], sizes = [512, 1], strides = [1, 1]} : vector<512x26xi1> to vector<512x1xi1>
    %squeeze3A_170 = vector.shape_cast %slice3A_169 : vector<512x1xi1> to vector<512xi1>
    %broadcast_in_dim3A_171 = vector.shape_cast %squeeze3A_170 : vector<512xi1> to vector<512x1xi1>
    %slice3A_172 = vector.extract_strided_slice %squeeze3A_168 {offsets = [0, 64], sizes = [512, 64], strides = [1, 1]} : vector<512x128xf32> to vector<512x64xf32>
    %slice3A_173 = vector.extract_strided_slice %squeeze3A_168 {offsets = [0, 0], sizes = [512, 64], strides = [1, 1]} : vector<512x128xf32> to vector<512x64xf32>
    %broadcast_in_dim3A_174 = vector.shape_cast %broadcast_in_dim3A_171 : vector<512x1xi1> to vector<512x1xi1>
    %broadcast_in_dim3A_175 = vector.broadcast %broadcast_in_dim3A_174 : vector<512x1xi1> to vector<512x64xi1>
    %select_n3A_176 = arith.select %broadcast_in_dim3A_175, %slice3A_172, %slice3A_173 : vector<512x64xi1>, vector<512x64xf32>
    %dot_general3A_177 = arith.constant dense<0.000000e+00> : vector<64x512xf32>
    %dot_general3A_178 = tpu.matmul %get3A_10, %select_n3A_176, %dot_general3A_177 {dimension_numbers = #tpu.dot_dimension_numbers<[1], [1], [0], [0], [0, 0, 1, 0], [], []>, transpose_lhs_hint = false} : vector<64x64xf32>, vector<512x64xf32>, vector<64x512xf32> -> vector<64x512xf32>
    %swap3A_179 = arith.constant 9 : index
    %swap3A_180 = arith.constant 0 : index
    %swap3A_181 = arith.constant 0 : index
    %swap3A_182 = vector.load %arg4[%swap3A_179, %swap3A_180, %swap3A_181] : memref<26x64x512xf32, #tpu.memory_space<vmem>>, vector<1x64x512xf32>
    %swap3A_183 = vector.shape_cast %swap3A_182 : vector<1x64x512xf32> to vector<64x512xf32>
    %swap3A_184 = vector.shape_cast %dot_general3A_178 : vector<64x512xf32> to vector<1x64x512xf32>
    tpu.vector_store %arg4[%swap3A_179, %swap3A_180, %swap3A_181], %swap3A_184 {strides = array<i32>} : memref<26x64x512xf32, #tpu.memory_space<vmem>>, vector<1x64x512xf32>,
    %slice3A_185 = vector.extract_strided_slice %get3A_2 {offsets = [0, 10, 0], sizes = [512, 1, 128], strides = [1, 1, 1]} : vector<512x26x128xf32> to vector<512x1x128xf32>
    %squeeze3A_186 = vector.shape_cast %slice3A_185 : vector<512x1x128xf32> to vector<512x128xf32>
    %slice3A_187 = vector.extract_strided_slice %ge3A_7 {offsets = [0, 10], sizes = [512, 1], strides = [1, 1]} : vector<512x26xi1> to vector<512x1xi1>
    %squeeze3A_188 = vector.shape_cast %slice3A_187 : vector<512x1xi1> to vector<512xi1>
    %broadcast_in_dim3A_189 = vector.shape_cast %squeeze3A_188 : vector<512xi1> to vector<512x1xi1>
    %slice3A_190 = vector.extract_strided_slice %squeeze3A_186 {offsets = [0, 64], sizes = [512, 64], strides = [1, 1]} : vector<512x128xf32> to vector<512x64xf32>
    %slice3A_191 = vector.extract_strided_slice %squeeze3A_186 {offsets = [0, 0], sizes = [512, 64], strides = [1, 1]} : vector<512x128xf32> to vector<512x64xf32>
    %broadcast_in_dim3A_192 = vector.shape_cast %broadcast_in_dim3A_189 : vector<512x1xi1> to vector<512x1xi1>
    %broadcast_in_dim3A_193 = vector.broadcast %broadcast_in_dim3A_192 : vector<512x1xi1> to vector<512x64xi1>
    %select_n3A_194 = arith.select %broadcast_in_dim3A_193, %slice3A_190, %slice3A_191 : vector<512x64xi1>, vector<512x64xf32>
    %dot_general3A_195 = arith.constant dense<0.000000e+00> : vector<64x512xf32>
    %dot_general3A_196 = tpu.matmul %get3A_10, %select_n3A_194, %dot_general3A_195 {dimension_numbers = #tpu.dot_dimension_numbers<[1], [1], [0], [0], [0, 0, 1, 0], [], []>, transpose_lhs_hint = false} : vector<64x64xf32>, vector<512x64xf32>, vector<64x512xf32> -> vector<64x512xf32>
    %swap3A_197 = arith.constant 10 : index
    %swap3A_198 = arith.constant 0 : index
    %swap3A_199 = arith.constant 0 : index
    %swap3A_200 = vector.load %arg4[%swap3A_197, %swap3A_198, %swap3A_199] : memref<26x64x512xf32, #tpu.memory_space<vmem>>, vector<1x64x512xf32>
    %swap3A_201 = vector.shape_cast %swap3A_200 : vector<1x64x512xf32> to vector<64x512xf32>
    %swap3A_202 = vector.shape_cast %dot_general3A_196 : vector<64x512xf32> to vector<1x64x512xf32>
    tpu.vector_store %arg4[%swap3A_197, %swap3A_198, %swap3A_199], %swap3A_202 {strides = array<i32>} : memref<26x64x512xf32, #tpu.memory_space<vmem>>, vector<1x64x512xf32>,
    %slice3A_203 = vector.extract_strided_slice %get3A_2 {offsets = [0, 11, 0], sizes = [512, 1, 128], strides = [1, 1, 1]} : vector<512x26x128xf32> to vector<512x1x128xf32>
    %squeeze3A_204 = vector.shape_cast %slice3A_203 : vector<512x1x128xf32> to vector<512x128xf32>
    %slice3A_205 = vector.extract_strided_slice %ge3A_7 {offsets = [0, 11], sizes = [512, 1], strides = [1, 1]} : vector<512x26xi1> to vector<512x1xi1>
    %squeeze3A_206 = vector.shape_cast %slice3A_205 : vector<512x1xi1> to vector<512xi1>
    %broadcast_in_dim3A_207 = vector.shape_cast %squeeze3A_206 : vector<512xi1> to vector<512x1xi1>
    %slice3A_208 = vector.extract_strided_slice %squeeze3A_204 {offsets = [0, 64], sizes = [512, 64], strides = [1, 1]} : vector<512x128xf32> to vector<512x64xf32>
    %slice3A_209 = vector.extract_strided_slice %squeeze3A_204 {offsets = [0, 0], sizes = [512, 64], strides = [1, 1]} : vector<512x128xf32> to vector<512x64xf32>
    %broadcast_in_dim3A_210 = vector.shape_cast %broadcast_in_dim3A_207 : vector<512x1xi1> to vector<512x1xi1>
    %broadcast_in_dim3A_211 = vector.broadcast %broadcast_in_dim3A_210 : vector<512x1xi1> to vector<512x64xi1>
    %select_n3A_212 = arith.select %broadcast_in_dim3A_211, %slice3A_208, %slice3A_209 : vector<512x64xi1>, vector<512x64xf32>
    %dot_general3A_213 = arith.constant dense<0.000000e+00> : vector<64x512xf32>
    %dot_general3A_214 = tpu.matmul %get3A_10, %select_n3A_212, %dot_general3A_213 {dimension_numbers = #tpu.dot_dimension_numbers<[1], [1], [0], [0], [0, 0, 1, 0], [], []>, transpose_lhs_hint = false} : vector<64x64xf32>, vector<512x64xf32>, vector<64x512xf32> -> vector<64x512xf32>
    %swap3A_215 = arith.constant 11 : index
    %swap3A_216 = arith.constant 0 : index
    %swap3A_217 = arith.constant 0 : index
    %swap3A_218 = vector.load %arg4[%swap3A_215, %swap3A_216, %swap3A_217] : memref<26x64x512xf32, #tpu.memory_space<vmem>>, vector<1x64x512xf32>
    %swap3A_219 = vector.shape_cast %swap3A_218 : vector<1x64x512xf32> to vector<64x512xf32>
    %swap3A_220 = vector.shape_cast %dot_general3A_214 : vector<64x512xf32> to vector<1x64x512xf32>
    tpu.vector_store %arg4[%swap3A_215, %swap3A_216, %swap3A_217], %swap3A_220 {strides = array<i32>} : memref<26x64x512xf32, #tpu.memory_space<vmem>>, vector<1x64x512xf32>,
    %slice3A_221 = vector.extract_strided_slice %get3A_2 {offsets = [0, 12, 0], sizes = [512, 1, 128], strides = [1, 1, 1]} : vector<512x26x128xf32> to vector<512x1x128xf32>
    %squeeze3A_222 = vector.shape_cast %slice3A_221 : vector<512x1x128xf32> to vector<512x128xf32>
    %slice3A_223 = vector.extract_strided_slice %ge3A_7 {offsets = [0, 12], sizes = [512, 1], strides = [1, 1]} : vector<512x26xi1> to vector<512x1xi1>
    %squeeze3A_224 = vector.shape_cast %slice3A_223 : vector<512x1xi1> to vector<512xi1>
    %broadcast_in_dim3A_225 = vector.shape_cast %squeeze3A_224 : vector<512xi1> to vector<512x1xi1>
    %slice3A_226 = vector.extract_strided_slice %squeeze3A_222 {offsets = [0, 64], sizes = [512, 64], strides = [1, 1]} : vector<512x128xf32> to vector<512x64xf32>
    %slice3A_227 = vector.extract_strided_slice %squeeze3A_222 {offsets = [0, 0], sizes = [512, 64], strides = [1, 1]} : vector<512x128xf32> to vector<512x64xf32>
    %broadcast_in_dim3A_228 = vector.shape_cast %broadcast_in_dim3A_225 : vector<512x1xi1> to vector<512x1xi1>
    %broadcast_in_dim3A_229 = vector.broadcast %broadcast_in_dim3A_228 : vector<512x1xi1> to vector<512x64xi1>
    %select_n3A_230 = arith.select %broadcast_in_dim3A_229, %slice3A_226, %slice3A_227 : vector<512x64xi1>, vector<512x64xf32>
    %dot_general3A_231 = arith.constant dense<0.000000e+00> : vector<64x512xf32>
    %dot_general3A_232 = tpu.matmul %get3A_10, %select_n3A_230, %dot_general3A_231 {dimension_numbers = #tpu.dot_dimension_numbers<[1], [1], [0], [0], [0, 0, 1, 0], [], []>, transpose_lhs_hint = false} : vector<64x64xf32>, vector<512x64xf32>, vector<64x512xf32> -> vector<64x512xf32>
    %swap3A_233 = arith.constant 12 : index
    %swap3A_234 = arith.constant 0 : index
    %swap3A_235 = arith.constant 0 : index
    %swap3A_236 = vector.load %arg4[%swap3A_233, %swap3A_234, %swap3A_235] : memref<26x64x512xf32, #tpu.memory_space<vmem>>, vector<1x64x512xf32>
    %swap3A_237 = vector.shape_cast %swap3A_236 : vector<1x64x512xf32> to vector<64x512xf32>
    %swap3A_238 = vector.shape_cast %dot_general3A_232 : vector<64x512xf32> to vector<1x64x512xf32>
    tpu.vector_store %arg4[%swap3A_233, %swap3A_234, %swap3A_235], %swap3A_238 {strides = array<i32>} : memref<26x64x512xf32, #tpu.memory_space<vmem>>, vector<1x64x512xf32>,
    %slice3A_239 = vector.extract_strided_slice %get3A_2 {offsets = [0, 13, 0], sizes = [512, 1, 128], strides = [1, 1, 1]} : vector<512x26x128xf32> to vector<512x1x128xf32>
    %squeeze3A_240 = vector.shape_cast %slice3A_239 : vector<512x1x128xf32> to vector<512x128xf32>
    %slice3A_241 = vector.extract_strided_slice %ge3A_7 {offsets = [0, 13], sizes = [512, 1], strides = [1, 1]} : vector<512x26xi1> to vector<512x1xi1>
    %squeeze3A_242 = vector.shape_cast %slice3A_241 : vector<512x1xi1> to vector<512xi1>
    %broadcast_in_dim3A_243 = vector.shape_cast %squeeze3A_242 : vector<512xi1> to vector<512x1xi1>
    %slice3A_244 = vector.extract_strided_slice %squeeze3A_240 {offsets = [0, 64], sizes = [512, 64], strides = [1, 1]} : vector<512x128xf32> to vector<512x64xf32>
    %slice3A_245 = vector.extract_strided_slice %squeeze3A_240 {offsets = [0, 0], sizes = [512, 64], strides = [1, 1]} : vector<512x128xf32> to vector<512x64xf32>
    %broadcast_in_dim3A_246 = vector.shape_cast %broadcast_in_dim3A_243 : vector<512x1xi1> to vector<512x1xi1>
    %broadcast_in_dim3A_247 = vector.broadcast %broadcast_in_dim3A_246 : vector<512x1xi1> to vector<512x64xi1>
    %select_n3A_248 = arith.select %broadcast_in_dim3A_247, %slice3A_244, %slice3A_245 : vector<512x64xi1>, vector<512x64xf32>
    %dot_general3A_249 = arith.constant dense<0.000000e+00> : vector<64x512xf32>
    %dot_general3A_250 = tpu.matmul %get3A_10, %select_n3A_248, %dot_general3A_249 {dimension_numbers = #tpu.dot_dimension_numbers<[1], [1], [0], [0], [0, 0, 1, 0], [], []>, transpose_lhs_hint = false} : vector<64x64xf32>, vector<512x64xf32>, vector<64x512xf32> -> vector<64x512xf32>
    %swap3A_251 = arith.constant 13 : index
    %swap3A_252 = arith.constant 0 : index
    %swap3A_253 = arith.constant 0 : index
    %swap3A_254 = vector.load %arg4[%swap3A_251, %swap3A_252, %swap3A_253] : memref<26x64x512xf32, #tpu.memory_space<vmem>>, vector<1x64x512xf32>
    %swap3A_255 = vector.shape_cast %swap3A_254 : vector<1x64x512xf32> to vector<64x512xf32>
    %swap3A_256 = vector.shape_cast %dot_general3A_250 : vector<64x512xf32> to vector<1x64x512xf32>
    tpu.vector_store %arg4[%swap3A_251, %swap3A_252, %swap3A_253], %swap3A_256 {strides = array<i32>} : memref<26x64x512xf32, #tpu.memory_space<vmem>>, vector<1x64x512xf32>,
    %slice3A_257 = vector.extract_strided_slice %get3A_2 {offsets = [0, 14, 0], sizes = [512, 1, 128], strides = [1, 1, 1]} : vector<512x26x128xf32> to vector<512x1x128xf32>
    %squeeze3A_258 = vector.shape_cast %slice3A_257 : vector<512x1x128xf32> to vector<512x128xf32>
    %slice3A_259 = vector.extract_strided_slice %ge3A_7 {offsets = [0, 14], sizes = [512, 1], strides = [1, 1]} : vector<512x26xi1> to vector<512x1xi1>
    %squeeze3A_260 = vector.shape_cast %slice3A_259 : vector<512x1xi1> to vector<512xi1>
    %broadcast_in_dim3A_261 = vector.shape_cast %squeeze3A_260 : vector<512xi1> to vector<512x1xi1>
    %slice3A_262 = vector.extract_strided_slice %squeeze3A_258 {offsets = [0, 64], sizes = [512, 64], strides = [1, 1]} : vector<512x128xf32> to vector<512x64xf32>
    %slice3A_263 = vector.extract_strided_slice %squeeze3A_258 {offsets = [0, 0], sizes = [512, 64], strides = [1, 1]} : vector<512x128xf32> to vector<512x64xf32>
    %broadcast_in_dim3A_264 = vector.shape_cast %broadcast_in_dim3A_261 : vector<512x1xi1> to vector<512x1xi1>
    %broadcast_in_dim3A_265 = vector.broadcast %broadcast_in_dim3A_264 : vector<512x1xi1> to vector<512x64xi1>
    %select_n3A_266 = arith.select %broadcast_in_dim3A_265, %slice3A_262, %slice3A_263 : vector<512x64xi1>, vector<512x64xf32>
    %dot_general3A_267 = arith.constant dense<0.000000e+00> : vector<64x512xf32>
    %dot_general3A_268 = tpu.matmul %get3A_10, %select_n3A_266, %dot_general3A_267 {dimension_numbers = #tpu.dot_dimension_numbers<[1], [1], [0], [0], [0, 0, 1, 0], [], []>, transpose_lhs_hint = false} : vector<64x64xf32>, vector<512x64xf32>, vector<64x512xf32> -> vector<64x512xf32>
    %swap3A_269 = arith.constant 14 : index
    %swap3A_270 = arith.constant 0 : index
    %swap3A_271 = arith.constant 0 : index
    %swap3A_272 = vector.load %arg4[%swap3A_269, %swap3A_270, %swap3A_271] : memref<26x64x512xf32, #tpu.memory_space<vmem>>, vector<1x64x512xf32>
    %swap3A_273 = vector.shape_cast %swap3A_272 : vector<1x64x512xf32> to vector<64x512xf32>
    %swap3A_274 = vector.shape_cast %dot_general3A_268 : vector<64x512xf32> to vector<1x64x512xf32>
    tpu.vector_store %arg4[%swap3A_269, %swap3A_270, %swap3A_271], %swap3A_274 {strides = array<i32>} : memref<26x64x512xf32, #tpu.memory_space<vmem>>, vector<1x64x512xf32>,
    %slice3A_275 = vector.extract_strided_slice %get3A_2 {offsets = [0, 15, 0], sizes = [512, 1, 128], strides = [1, 1, 1]} : vector<512x26x128xf32> to vector<512x1x128xf32>
    %squeeze3A_276 = vector.shape_cast %slice3A_275 : vector<512x1x128xf32> to vector<512x128xf32>
    %slice3A_277 = vector.extract_strided_slice %ge3A_7 {offsets = [0, 15], sizes = [512, 1], strides = [1, 1]} : vector<512x26xi1> to vector<512x1xi1>
    %squeeze3A_278 = vector.shape_cast %slice3A_277 : vector<512x1xi1> to vector<512xi1>
    %broadcast_in_dim3A_279 = vector.shape_cast %squeeze3A_278 : vector<512xi1> to vector<512x1xi1>
    %slice3A_280 = vector.extract_strided_slice %squeeze3A_276 {offsets = [0, 64], sizes = [512, 64], strides = [1, 1]} : vector<512x128xf32> to vector<512x64xf32>
    %slice3A_281 = vector.extract_strided_slice %squeeze3A_276 {offsets = [0, 0], sizes = [512, 64], strides = [1, 1]} : vector<512x128xf32> to vector<512x64xf32>
    %broadcast_in_dim3A_282 = vector.shape_cast %broadcast_in_dim3A_279 : vector<512x1xi1> to vector<512x1xi1>
    %broadcast_in_dim3A_283 = vector.broadcast %broadcast_in_dim3A_282 : vector<512x1xi1> to vector<512x64xi1>
    %select_n3A_284 = arith.select %broadcast_in_dim3A_283, %slice3A_280, %slice3A_281 : vector<512x64xi1>, vector<512x64xf32>
    %dot_general3A_285 = arith.constant dense<0.000000e+00> : vector<64x512xf32>
    %dot_general3A_286 = tpu.matmul %get3A_10, %select_n3A_284, %dot_general3A_285 {dimension_numbers = #tpu.dot_dimension_numbers<[1], [1], [0], [0], [0, 0, 1, 0], [], []>, transpose_lhs_hint = false} : vector<64x64xf32>, vector<512x64xf32>, vector<64x512xf32> -> vector<64x512xf32>
    %swap3A_287 = arith.constant 15 : index
    %swap3A_288 = arith.constant 0 : index
    %swap3A_289 = arith.constant 0 : index
    %swap3A_290 = vector.load %arg4[%swap3A_287, %swap3A_288, %swap3A_289] : memref<26x64x512xf32, #tpu.memory_space<vmem>>, vector<1x64x512xf32>
    %swap3A_291 = vector.shape_cast %swap3A_290 : vector<1x64x512xf32> to vector<64x512xf32>
    %swap3A_292 = vector.shape_cast %dot_general3A_286 : vector<64x512xf32> to vector<1x64x512xf32>
    tpu.vector_store %arg4[%swap3A_287, %swap3A_288, %swap3A_289], %swap3A_292 {strides = array<i32>} : memref<26x64x512xf32, #tpu.memory_space<vmem>>, vector<1x64x512xf32>,
    %slice3A_293 = vector.extract_strided_slice %get3A_2 {offsets = [0, 16, 0], sizes = [512, 1, 128], strides = [1, 1, 1]} : vector<512x26x128xf32> to vector<512x1x128xf32>
    %squeeze3A_294 = vector.shape_cast %slice3A_293 : vector<512x1x128xf32> to vector<512x128xf32>
    %slice3A_295 = vector.extract_strided_slice %ge3A_7 {offsets = [0, 16], sizes = [512, 1], strides = [1, 1]} : vector<512x26xi1> to vector<512x1xi1>
    %squeeze3A_296 = vector.shape_cast %slice3A_295 : vector<512x1xi1> to vector<512xi1>
    %broadcast_in_dim3A_297 = vector.shape_cast %squeeze3A_296 : vector<512xi1> to vector<512x1xi1>
    %slice3A_298 = vector.extract_strided_slice %squeeze3A_294 {offsets = [0, 64], sizes = [512, 64], strides = [1, 1]} : vector<512x128xf32> to vector<512x64xf32>
    %slice3A_299 = vector.extract_strided_slice %squeeze3A_294 {offsets = [0, 0], sizes = [512, 64], strides = [1, 1]} : vector<512x128xf32> to vector<512x64xf32>
    %broadcast_in_dim3A_300 = vector.shape_cast %broadcast_in_dim3A_297 : vector<512x1xi1> to vector<512x1xi1>
    %broadcast_in_dim3A_301 = vector.broadcast %broadcast_in_dim3A_300 : vector<512x1xi1> to vector<512x64xi1>
    %select_n3A_302 = arith.select %broadcast_in_dim3A_301, %slice3A_298, %slice3A_299 : vector<512x64xi1>, vector<512x64xf32>
    %dot_general3A_303 = arith.constant dense<0.000000e+00> : vector<64x512xf32>
    %dot_general3A_304 = tpu.matmul %get3A_10, %select_n3A_302, %dot_general3A_303 {dimension_numbers = #tpu.dot_dimension_numbers<[1], [1], [0], [0], [0, 0, 1, 0], [], []>, transpose_lhs_hint = false} : vector<64x64xf32>, vector<512x64xf32>, vector<64x512xf32> -> vector<64x512xf32>
    %swap3A_305 = arith.constant 16 : index
    %swap3A_306 = arith.constant 0 : index
    %swap3A_307 = arith.constant 0 : index
    %swap3A_308 = vector.load %arg4[%swap3A_305, %swap3A_306, %swap3A_307] : memref<26x64x512xf32, #tpu.memory_space<vmem>>, vector<1x64x512xf32>
    %swap3A_309 = vector.shape_cast %swap3A_308 : vector<1x64x512xf32> to vector<64x512xf32>
    %swap3A_310 = vector.shape_cast %dot_general3A_304 : vector<64x512xf32> to vector<1x64x512xf32>
    tpu.vector_store %arg4[%swap3A_305, %swap3A_306, %swap3A_307], %swap3A_310 {strides = array<i32>} : memref<26x64x512xf32, #tpu.memory_space<vmem>>, vector<1x64x512xf32>,
    %slice3A_311 = vector.extract_strided_slice %get3A_2 {offsets = [0, 17, 0], sizes = [512, 1, 128], strides = [1, 1, 1]} : vector<512x26x128xf32> to vector<512x1x128xf32>
    %squeeze3A_312 = vector.shape_cast %slice3A_311 : vector<512x1x128xf32> to vector<512x128xf32>
    %slice3A_313 = vector.extract_strided_slice %ge3A_7 {offsets = [0, 17], sizes = [512, 1], strides = [1, 1]} : vector<512x26xi1> to vector<512x1xi1>
    %squeeze3A_314 = vector.shape_cast %slice3A_313 : vector<512x1xi1> to vector<512xi1>
    %broadcast_in_dim3A_315 = vector.shape_cast %squeeze3A_314 : vector<512xi1> to vector<512x1xi1>
    %slice3A_316 = vector.extract_strided_slice %squeeze3A_312 {offsets = [0, 64], sizes = [512, 64], strides = [1, 1]} : vector<512x128xf32> to vector<512x64xf32>
    %slice3A_317 = vector.extract_strided_slice %squeeze3A_312 {offsets = [0, 0], sizes = [512, 64], strides = [1, 1]} : vector<512x128xf32> to vector<512x64xf32>
    %broadcast_in_dim3A_318 = vector.shape_cast %broadcast_in_dim3A_315 : vector<512x1xi1> to vector<512x1xi1>
    %broadcast_in_dim3A_319 = vector.broadcast %broadcast_in_dim3A_318 : vector<512x1xi1> to vector<512x64xi1>
    %select_n3A_320 = arith.select %broadcast_in_dim3A_319, %slice3A_316, %slice3A_317 : vector<512x64xi1>, vector<512x64xf32>
    %dot_general3A_321 = arith.constant dense<0.000000e+00> : vector<64x512xf32>
    %dot_general3A_322 = tpu.matmul %get3A_10, %select_n3A_320, %dot_general3A_321 {dimension_numbers = #tpu.dot_dimension_numbers<[1], [1], [0], [0], [0, 0, 1, 0], [], []>, transpose_lhs_hint = false} : vector<64x64xf32>, vector<512x64xf32>, vector<64x512xf32> -> vector<64x512xf32>
    %swap3A_323 = arith.constant 17 : index
    %swap3A_324 = arith.constant 0 : index
    %swap3A_325 = arith.constant 0 : index
    %swap3A_326 = vector.load %arg4[%swap3A_323, %swap3A_324, %swap3A_325] : memref<26x64x512xf32, #tpu.memory_space<vmem>>, vector<1x64x512xf32>
    %swap3A_327 = vector.shape_cast %swap3A_326 : vector<1x64x512xf32> to vector<64x512xf32>
    %swap3A_328 = vector.shape_cast %dot_general3A_322 : vector<64x512xf32> to vector<1x64x512xf32>
    tpu.vector_store %arg4[%swap3A_323, %swap3A_324, %swap3A_325], %swap3A_328 {strides = array<i32>} : memref<26x64x512xf32, #tpu.memory_space<vmem>>, vector<1x64x512xf32>,
    %slice3A_329 = vector.extract_strided_slice %get3A_2 {offsets = [0, 18, 0], sizes = [512, 1, 128], strides = [1, 1, 1]} : vector<512x26x128xf32> to vector<512x1x128xf32>
    %squeeze3A_330 = vector.shape_cast %slice3A_329 : vector<512x1x128xf32> to vector<512x128xf32>
    %slice3A_331 = vector.extract_strided_slice %ge3A_7 {offsets = [0, 18], sizes = [512, 1], strides = [1, 1]} : vector<512x26xi1> to vector<512x1xi1>
    %squeeze3A_332 = vector.shape_cast %slice3A_331 : vector<512x1xi1> to vector<512xi1>
    %broadcast_in_dim3A_333 = vector.shape_cast %squeeze3A_332 : vector<512xi1> to vector<512x1xi1>
    %slice3A_334 = vector.extract_strided_slice %squeeze3A_330 {offsets = [0, 64], sizes = [512, 64], strides = [1, 1]} : vector<512x128xf32> to vector<512x64xf32>
    %slice3A_335 = vector.extract_strided_slice %squeeze3A_330 {offsets = [0, 0], sizes = [512, 64], strides = [1, 1]} : vector<512x128xf32> to vector<512x64xf32>
    %broadcast_in_dim3A_336 = vector.shape_cast %broadcast_in_dim3A_333 : vector<512x1xi1> to vector<512x1xi1>
    %broadcast_in_dim3A_337 = vector.broadcast %broadcast_in_dim3A_336 : vector<512x1xi1> to vector<512x64xi1>
    %select_n3A_338 = arith.select %broadcast_in_dim3A_337, %slice3A_334, %slice3A_335 : vector<512x64xi1>, vector<512x64xf32>
    %dot_general3A_339 = arith.constant dense<0.000000e+00> : vector<64x512xf32>
    %dot_general3A_340 = tpu.matmul %get3A_10, %select_n3A_338, %dot_general3A_339 {dimension_numbers = #tpu.dot_dimension_numbers<[1], [1], [0], [0], [0, 0, 1, 0], [], []>, transpose_lhs_hint = false} : vector<64x64xf32>, vector<512x64xf32>, vector<64x512xf32> -> vector<64x512xf32>
    %swap3A_341 = arith.constant 18 : index
    %swap3A_342 = arith.constant 0 : index
    %swap3A_343 = arith.constant 0 : index
    %swap3A_344 = vector.load %arg4[%swap3A_341, %swap3A_342, %swap3A_343] : memref<26x64x512xf32, #tpu.memory_space<vmem>>, vector<1x64x512xf32>
    %swap3A_345 = vector.shape_cast %swap3A_344 : vector<1x64x512xf32> to vector<64x512xf32>
    %swap3A_346 = vector.shape_cast %dot_general3A_340 : vector<64x512xf32> to vector<1x64x512xf32>
    tpu.vector_store %arg4[%swap3A_341, %swap3A_342, %swap3A_343], %swap3A_346 {strides = array<i32>} : memref<26x64x512xf32, #tpu.memory_space<vmem>>, vector<1x64x512xf32>,
    %slice3A_347 = vector.extract_strided_slice %get3A_2 {offsets = [0, 19, 0], sizes = [512, 1, 128], strides = [1, 1, 1]} : vector<512x26x128xf32> to vector<512x1x128xf32>
    %squeeze3A_348 = vector.shape_cast %slice3A_347 : vector<512x1x128xf32> to vector<512x128xf32>
    %slice3A_349 = vector.extract_strided_slice %ge3A_7 {offsets = [0, 19], sizes = [512, 1], strides = [1, 1]} : vector<512x26xi1> to vector<512x1xi1>
    %squeeze3A_350 = vector.shape_cast %slice3A_349 : vector<512x1xi1> to vector<512xi1>
    %broadcast_in_dim3A_351 = vector.shape_cast %squeeze3A_350 : vector<512xi1> to vector<512x1xi1>
    %slice3A_352 = vector.extract_strided_slice %squeeze3A_348 {offsets = [0, 64], sizes = [512, 64], strides = [1, 1]} : vector<512x128xf32> to vector<512x64xf32>
    %slice3A_353 = vector.extract_strided_slice %squeeze3A_348 {offsets = [0, 0], sizes = [512, 64], strides = [1, 1]} : vector<512x128xf32> to vector<512x64xf32>
    %broadcast_in_dim3A_354 = vector.shape_cast %broadcast_in_dim3A_351 : vector<512x1xi1> to vector<512x1xi1>
    %broadcast_in_dim3A_355 = vector.broadcast %broadcast_in_dim3A_354 : vector<512x1xi1> to vector<512x64xi1>
    %select_n3A_356 = arith.select %broadcast_in_dim3A_355, %slice3A_352, %slice3A_353 : vector<512x64xi1>, vector<512x64xf32>
    %dot_general3A_357 = arith.constant dense<0.000000e+00> : vector<64x512xf32>
    %dot_general3A_358 = tpu.matmul %get3A_10, %select_n3A_356, %dot_general3A_357 {dimension_numbers = #tpu.dot_dimension_numbers<[1], [1], [0], [0], [0, 0, 1, 0], [], []>, transpose_lhs_hint = false} : vector<64x64xf32>, vector<512x64xf32>, vector<64x512xf32> -> vector<64x512xf32>
    %swap3A_359 = arith.constant 19 : index
    %swap3A_360 = arith.constant 0 : index
    %swap3A_361 = arith.constant 0 : index
    %swap3A_362 = vector.load %arg4[%swap3A_359, %swap3A_360, %swap3A_361] : memref<26x64x512xf32, #tpu.memory_space<vmem>>, vector<1x64x512xf32>
    %swap3A_363 = vector.shape_cast %swap3A_362 : vector<1x64x512xf32> to vector<64x512xf32>
    %swap3A_364 = vector.shape_cast %dot_general3A_358 : vector<64x512xf32> to vector<1x64x512xf32>
    tpu.vector_store %arg4[%swap3A_359, %swap3A_360, %swap3A_361], %swap3A_364 {strides = array<i32>} : memref<26x64x512xf32, #tpu.memory_space<vmem>>, vector<1x64x512xf32>,
    %slice3A_365 = vector.extract_strided_slice %get3A_2 {offsets = [0, 20, 0], sizes = [512, 1, 128], strides = [1, 1, 1]} : vector<512x26x128xf32> to vector<512x1x128xf32>
    %squeeze3A_366 = vector.shape_cast %slice3A_365 : vector<512x1x128xf32> to vector<512x128xf32>
    %slice3A_367 = vector.extract_strided_slice %ge3A_7 {offsets = [0, 20], sizes = [512, 1], strides = [1, 1]} : vector<512x26xi1> to vector<512x1xi1>
    %squeeze3A_368 = vector.shape_cast %slice3A_367 : vector<512x1xi1> to vector<512xi1>
    %broadcast_in_dim3A_369 = vector.shape_cast %squeeze3A_368 : vector<512xi1> to vector<512x1xi1>
    %slice3A_370 = vector.extract_strided_slice %squeeze3A_366 {offsets = [0, 64], sizes = [512, 64], strides = [1, 1]} : vector<512x128xf32> to vector<512x64xf32>
    %slice3A_371 = vector.extract_strided_slice %squeeze3A_366 {offsets = [0, 0], sizes = [512, 64], strides = [1, 1]} : vector<512x128xf32> to vector<512x64xf32>
    %broadcast_in_dim3A_372 = vector.shape_cast %broadcast_in_dim3A_369 : vector<512x1xi1> to vector<512x1xi1>
    %broadcast_in_dim3A_373 = vector.broadcast %broadcast_in_dim3A_372 : vector<512x1xi1> to vector<512x64xi1>
    %select_n3A_374 = arith.select %broadcast_in_dim3A_373, %slice3A_370, %slice3A_371 : vector<512x64xi1>, vector<512x64xf32>
    %dot_general3A_375 = arith.constant dense<0.000000e+00> : vector<64x512xf32>
    %dot_general3A_376 = tpu.matmul %get3A_10, %select_n3A_374, %dot_general3A_375 {dimension_numbers = #tpu.dot_dimension_numbers<[1], [1], [0], [0], [0, 0, 1, 0], [], []>, transpose_lhs_hint = false} : vector<64x64xf32>, vector<512x64xf32>, vector<64x512xf32> -> vector<64x512xf32>
    %swap3A_377 = arith.constant 20 : index
    %swap3A_378 = arith.constant 0 : index
    %swap3A_379 = arith.constant 0 : index
    %swap3A_380 = vector.load %arg4[%swap3A_377, %swap3A_378, %swap3A_379] : memref<26x64x512xf32, #tpu.memory_space<vmem>>, vector<1x64x512xf32>
    %swap3A_381 = vector.shape_cast %swap3A_380 : vector<1x64x512xf32> to vector<64x512xf32>
    %swap3A_382 = vector.shape_cast %dot_general3A_376 : vector<64x512xf32> to vector<1x64x512xf32>
    tpu.vector_store %arg4[%swap3A_377, %swap3A_378, %swap3A_379], %swap3A_382 {strides = array<i32>} : memref<26x64x512xf32, #tpu.memory_space<vmem>>, vector<1x64x512xf32>,
    %slice3A_383 = vector.extract_strided_slice %get3A_2 {offsets = [0, 21, 0], sizes = [512, 1, 128], strides = [1, 1, 1]} : vector<512x26x128xf32> to vector<512x1x128xf32>
    %squeeze3A_384 = vector.shape_cast %slice3A_383 : vector<512x1x128xf32> to vector<512x128xf32>
    %slice3A_385 = vector.extract_strided_slice %ge3A_7 {offsets = [0, 21], sizes = [512, 1], strides = [1, 1]} : vector<512x26xi1> to vector<512x1xi1>
    %squeeze3A_386 = vector.shape_cast %slice3A_385 : vector<512x1xi1> to vector<512xi1>
    %broadcast_in_dim3A_387 = vector.shape_cast %squeeze3A_386 : vector<512xi1> to vector<512x1xi1>
    %slice3A_388 = vector.extract_strided_slice %squeeze3A_384 {offsets = [0, 64], sizes = [512, 64], strides = [1, 1]} : vector<512x128xf32> to vector<512x64xf32>
    %slice3A_389 = vector.extract_strided_slice %squeeze3A_384 {offsets = [0, 0], sizes = [512, 64], strides = [1, 1]} : vector<512x128xf32> to vector<512x64xf32>
    %broadcast_in_dim3A_390 = vector.shape_cast %broadcast_in_dim3A_387 : vector<512x1xi1> to vector<512x1xi1>
    %broadcast_in_dim3A_391 = vector.broadcast %broadcast_in_dim3A_390 : vector<512x1xi1> to vector<512x64xi1>
    %select_n3A_392 = arith.select %broadcast_in_dim3A_391, %slice3A_388, %slice3A_389 : vector<512x64xi1>, vector<512x64xf32>
    %dot_general3A_393 = arith.constant dense<0.000000e+00> : vector<64x512xf32>
    %dot_general3A_394 = tpu.matmul %get3A_10, %select_n3A_392, %dot_general3A_393 {dimension_numbers = #tpu.dot_dimension_numbers<[1], [1], [0], [0], [0, 0, 1, 0], [], []>, transpose_lhs_hint = false} : vector<64x64xf32>, vector<512x64xf32>, vector<64x512xf32> -> vector<64x512xf32>
    %swap3A_395 = arith.constant 21 : index
    %swap3A_396 = arith.constant 0 : index
    %swap3A_397 = arith.constant 0 : index
    %swap3A_398 = vector.load %arg4[%swap3A_395, %swap3A_396, %swap3A_397] : memref<26x64x512xf32, #tpu.memory_space<vmem>>, vector<1x64x512xf32>
    %swap3A_399 = vector.shape_cast %swap3A_398 : vector<1x64x512xf32> to vector<64x512xf32>
    %swap3A_400 = vector.shape_cast %dot_general3A_394 : vector<64x512xf32> to vector<1x64x512xf32>
    tpu.vector_store %arg4[%swap3A_395, %swap3A_396, %swap3A_397], %swap3A_400 {strides = array<i32>} : memref<26x64x512xf32, #tpu.memory_space<vmem>>, vector<1x64x512xf32>,
    %slice3A_401 = vector.extract_strided_slice %get3A_2 {offsets = [0, 22, 0], sizes = [512, 1, 128], strides = [1, 1, 1]} : vector<512x26x128xf32> to vector<512x1x128xf32>
    %squeeze3A_402 = vector.shape_cast %slice3A_401 : vector<512x1x128xf32> to vector<512x128xf32>
    %slice3A_403 = vector.extract_strided_slice %ge3A_7 {offsets = [0, 22], sizes = [512, 1], strides = [1, 1]} : vector<512x26xi1> to vector<512x1xi1>
    %squeeze3A_404 = vector.shape_cast %slice3A_403 : vector<512x1xi1> to vector<512xi1>
    %broadcast_in_dim3A_405 = vector.shape_cast %squeeze3A_404 : vector<512xi1> to vector<512x1xi1>
    %slice3A_406 = vector.extract_strided_slice %squeeze3A_402 {offsets = [0, 64], sizes = [512, 64], strides = [1, 1]} : vector<512x128xf32> to vector<512x64xf32>
    %slice3A_407 = vector.extract_strided_slice %squeeze3A_402 {offsets = [0, 0], sizes = [512, 64], strides = [1, 1]} : vector<512x128xf32> to vector<512x64xf32>
    %broadcast_in_dim3A_408 = vector.shape_cast %broadcast_in_dim3A_405 : vector<512x1xi1> to vector<512x1xi1>
    %broadcast_in_dim3A_409 = vector.broadcast %broadcast_in_dim3A_408 : vector<512x1xi1> to vector<512x64xi1>
    %select_n3A_410 = arith.select %broadcast_in_dim3A_409, %slice3A_406, %slice3A_407 : vector<512x64xi1>, vector<512x64xf32>
    %dot_general3A_411 = arith.constant dense<0.000000e+00> : vector<64x512xf32>
    %dot_general3A_412 = tpu.matmul %get3A_10, %select_n3A_410, %dot_general3A_411 {dimension_numbers = #tpu.dot_dimension_numbers<[1], [1], [0], [0], [0, 0, 1, 0], [], []>, transpose_lhs_hint = false} : vector<64x64xf32>, vector<512x64xf32>, vector<64x512xf32> -> vector<64x512xf32>
    %swap3A_413 = arith.constant 22 : index
    %swap3A_414 = arith.constant 0 : index
    %swap3A_415 = arith.constant 0 : index
    %swap3A_416 = vector.load %arg4[%swap3A_413, %swap3A_414, %swap3A_415] : memref<26x64x512xf32, #tpu.memory_space<vmem>>, vector<1x64x512xf32>
    %swap3A_417 = vector.shape_cast %swap3A_416 : vector<1x64x512xf32> to vector<64x512xf32>
    %swap3A_418 = vector.shape_cast %dot_general3A_412 : vector<64x512xf32> to vector<1x64x512xf32>
    tpu.vector_store %arg4[%swap3A_413, %swap3A_414, %swap3A_415], %swap3A_418 {strides = array<i32>} : memref<26x64x512xf32, #tpu.memory_space<vmem>>, vector<1x64x512xf32>,
    %slice3A_419 = vector.extract_strided_slice %get3A_2 {offsets = [0, 23, 0], sizes = [512, 1, 128], strides = [1, 1, 1]} : vector<512x26x128xf32> to vector<512x1x128xf32>
    %squeeze3A_420 = vector.shape_cast %slice3A_419 : vector<512x1x128xf32> to vector<512x128xf32>
    %slice3A_421 = vector.extract_strided_slice %ge3A_7 {offsets = [0, 23], sizes = [512, 1], strides = [1, 1]} : vector<512x26xi1> to vector<512x1xi1>
    %squeeze3A_422 = vector.shape_cast %slice3A_421 : vector<512x1xi1> to vector<512xi1>
    %broadcast_in_dim3A_423 = vector.shape_cast %squeeze3A_422 : vector<512xi1> to vector<512x1xi1>
    %slice3A_424 = vector.extract_strided_slice %squeeze3A_420 {offsets = [0, 64], sizes = [512, 64], strides = [1, 1]} : vector<512x128xf32> to vector<512x64xf32>
    %slice3A_425 = vector.extract_strided_slice %squeeze3A_420 {offsets = [0, 0], sizes = [512, 64], strides = [1, 1]} : vector<512x128xf32> to vector<512x64xf32>
    %broadcast_in_dim3A_426 = vector.shape_cast %broadcast_in_dim3A_423 : vector<512x1xi1> to vector<512x1xi1>
    %broadcast_in_dim3A_427 = vector.broadcast %broadcast_in_dim3A_426 : vector<512x1xi1> to vector<512x64xi1>
    %select_n3A_428 = arith.select %broadcast_in_dim3A_427, %slice3A_424, %slice3A_425 : vector<512x64xi1>, vector<512x64xf32>
    %dot_general3A_429 = arith.constant dense<0.000000e+00> : vector<64x512xf32>
    %dot_general3A_430 = tpu.matmul %get3A_10, %select_n3A_428, %dot_general3A_429 {dimension_numbers = #tpu.dot_dimension_numbers<[1], [1], [0], [0], [0, 0, 1, 0], [], []>, transpose_lhs_hint = false} : vector<64x64xf32>, vector<512x64xf32>, vector<64x512xf32> -> vector<64x512xf32>
    %swap3A_431 = arith.constant 23 : index
    %swap3A_432 = arith.constant 0 : index
    %swap3A_433 = arith.constant 0 : index
    %swap3A_434 = vector.load %arg4[%swap3A_431, %swap3A_432, %swap3A_433] : memref<26x64x512xf32, #tpu.memory_space<vmem>>, vector<1x64x512xf32>
    %swap3A_435 = vector.shape_cast %swap3A_434 : vector<1x64x512xf32> to vector<64x512xf32>
    %swap3A_436 = vector.shape_cast %dot_general3A_430 : vector<64x512xf32> to vector<1x64x512xf32>
    tpu.vector_store %arg4[%swap3A_431, %swap3A_432, %swap3A_433], %swap3A_436 {strides = array<i32>} : memref<26x64x512xf32, #tpu.memory_space<vmem>>, vector<1x64x512xf32>,
    %slice3A_437 = vector.extract_strided_slice %get3A_2 {offsets = [0, 24, 0], sizes = [512, 1, 128], strides = [1, 1, 1]} : vector<512x26x128xf32> to vector<512x1x128xf32>
    %squeeze3A_438 = vector.shape_cast %slice3A_437 : vector<512x1x128xf32> to vector<512x128xf32>
    %slice3A_439 = vector.extract_strided_slice %ge3A_7 {offsets = [0, 24], sizes = [512, 1], strides = [1, 1]} : vector<512x26xi1> to vector<512x1xi1>
    %squeeze3A_440 = vector.shape_cast %slice3A_439 : vector<512x1xi1> to vector<512xi1>
    %broadcast_in_dim3A_441 = vector.shape_cast %squeeze3A_440 : vector<512xi1> to vector<512x1xi1>
    %slice3A_442 = vector.extract_strided_slice %squeeze3A_438 {offsets = [0, 64], sizes = [512, 64], strides = [1, 1]} : vector<512x128xf32> to vector<512x64xf32>
    %slice3A_443 = vector.extract_strided_slice %squeeze3A_438 {offsets = [0, 0], sizes = [512, 64], strides = [1, 1]} : vector<512x128xf32> to vector<512x64xf32>
    %broadcast_in_dim3A_444 = vector.shape_cast %broadcast_in_dim3A_441 : vector<512x1xi1> to vector<512x1xi1>
    %broadcast_in_dim3A_445 = vector.broadcast %broadcast_in_dim3A_444 : vector<512x1xi1> to vector<512x64xi1>
    %select_n3A_446 = arith.select %broadcast_in_dim3A_445, %slice3A_442, %slice3A_443 : vector<512x64xi1>, vector<512x64xf32>
    %dot_general3A_447 = arith.constant dense<0.000000e+00> : vector<64x512xf32>
    %dot_general3A_448 = tpu.matmul %get3A_10, %select_n3A_446, %dot_general3A_447 {dimension_numbers = #tpu.dot_dimension_numbers<[1], [1], [0], [0], [0, 0, 1, 0], [], []>, transpose_lhs_hint = false} : vector<64x64xf32>, vector<512x64xf32>, vector<64x512xf32> -> vector<64x512xf32>
    %swap3A_449 = arith.constant 24 : index
    %swap3A_450 = arith.constant 0 : index
    %swap3A_451 = arith.constant 0 : index
    %swap3A_452 = vector.load %arg4[%swap3A_449, %swap3A_450, %swap3A_451] : memref<26x64x512xf32, #tpu.memory_space<vmem>>, vector<1x64x512xf32>
    %swap3A_453 = vector.shape_cast %swap3A_452 : vector<1x64x512xf32> to vector<64x512xf32>
    %swap3A_454 = vector.shape_cast %dot_general3A_448 : vector<64x512xf32> to vector<1x64x512xf32>
    tpu.vector_store %arg4[%swap3A_449, %swap3A_450, %swap3A_451], %swap3A_454 {strides = array<i32>} : memref<26x64x512xf32, #tpu.memory_space<vmem>>, vector<1x64x512xf32>,
    %slice3A_455 = vector.extract_strided_slice %get3A_2 {offsets = [0, 25, 0], sizes = [512, 1, 128], strides = [1, 1, 1]} : vector<512x26x128xf32> to vector<512x1x128xf32>
    %squeeze3A_456 = vector.shape_cast %slice3A_455 : vector<512x1x128xf32> to vector<512x128xf32>
    %slice3A_457 = vector.extract_strided_slice %ge3A_7 {offsets = [0, 25], sizes = [512, 1], strides = [1, 1]} : vector<512x26xi1> to vector<512x1xi1>
    %squeeze3A_458 = vector.shape_cast %slice3A_457 : vector<512x1xi1> to vector<512xi1>
    %broadcast_in_dim3A_459 = vector.shape_cast %squeeze3A_458 : vector<512xi1> to vector<512x1xi1>
    %slice3A_460 = vector.extract_strided_slice %squeeze3A_456 {offsets = [0, 64], sizes = [512, 64], strides = [1, 1]} : vector<512x128xf32> to vector<512x64xf32>
    %slice3A_461 = vector.extract_strided_slice %squeeze3A_456 {offsets = [0, 0], sizes = [512, 64], strides = [1, 1]} : vector<512x128xf32> to vector<512x64xf32>
    %broadcast_in_dim3A_462 = vector.shape_cast %broadcast_in_dim3A_459 : vector<512x1xi1> to vector<512x1xi1>
    %broadcast_in_dim3A_463 = vector.broadcast %broadcast_in_dim3A_462 : vector<512x1xi1> to vector<512x64xi1>
    %select_n3A_464 = arith.select %broadcast_in_dim3A_463, %slice3A_460, %slice3A_461 : vector<512x64xi1>, vector<512x64xf32>
    %dot_general3A_465 = arith.constant dense<0.000000e+00> : vector<64x512xf32>
    %dot_general3A_466 = tpu.matmul %get3A_10, %select_n3A_464, %dot_general3A_465 {dimension_numbers = #tpu.dot_dimension_numbers<[1], [1], [0], [0], [0, 0, 1, 0], [], []>, transpose_lhs_hint = false} : vector<64x64xf32>, vector<512x64xf32>, vector<64x512xf32> -> vector<64x512xf32>
    %swap3A_467 = arith.constant 25 : index
    %swap3A_468 = arith.constant 0 : index
    %swap3A_469 = arith.constant 0 : index
    %swap3A_470 = vector.load %arg4[%swap3A_467, %swap3A_468, %swap3A_469] : memref<26x64x512xf32, #tpu.memory_space<vmem>>, vector<1x64x512xf32>
    %swap3A_471 = vector.shape_cast %swap3A_470 : vector<1x64x512xf32> to vector<64x512xf32>
    %swap3A_472 = vector.shape_cast %dot_general3A_466 : vector<64x512xf32> to vector<1x64x512xf32>
    tpu.vector_store %arg4[%swap3A_467, %swap3A_468, %swap3A_469], %swap3A_472 {strides = array<i32>} : memref<26x64x512xf32, #tpu.memory_space<vmem>>, vector<1x64x512xf32>,
    return
  }
  func.func @transform_0(%arg0: i32) -> (i32, i32, i32) {
    %c0_i32 = arith.constant 0 : i32
    %c0_i32_0 = arith.constant 0 : i32
    %c0_i32_1 = arith.constant 0 : i32
    return %arg0, %c0_i32, %c0_i32_0 : i32, i32, i32
  }
  func.func @transform_1(%arg0: i32) -> (i32, i32) {
    %c0_i32 = arith.constant 0 : i32
    %c0_i32_0 = arith.constant 0 : i32
    return %arg0, %c0_i32 : i32, i32
  }
  func.func @transform_2(%arg0: i32) -> (i32, i32) {
    %c0_i32 = arith.constant 0 : i32
    %c0_i32_0 = arith.constant 0 : i32
    %c0_i32_1 = arith.constant 0 : i32
    return %c0_i32, %c0_i32_0 : i32, i32
  }
  func.func @transform_3(%arg0: i32) -> (i32, i32, i32) {
    %c0_i32 = arith.constant 0 : i32
    %c0_i32_0 = arith.constant 0 : i32
    %c0_i32_1 = arith.constant 0 : i32
    return %c0_i32, %c0_i32_0, %arg0 : i32, i32, i32
  }
}

</mosaic_0001>

<sc_bundles>
// kernel: kernel.5.cloned.1.call-start
scs
__scs_entry_jumppad:
0x0: {  	(pc) =	sbr.rel $0x88, $3  }
0x1: {  	(tag) =	ssettag $0x0;
	lr =	simm.s32 $0x1  }
0x2: {  	[smem:$0x3F9D] =	sst lr;
	_ =	strace $0xD0000000  }
0x3: {  	_ = 	snop  }
0x4: {  	_ = 	snop  }
0x5: {  	_ = 	snop  }
0x6: {  	_ = 	snop  }
0x7: {  	_ = 	snop  }
__scs_overlays_trampoline_lowered:
0x8: {  	[smem:$0x3FAC] =	sst s0  }
0x9: {  	[smem:$0x3FAD] =	sst s1  }
0xa: {  	[smem:$0x3FAE] =	sst s2  }
0xb: {  	[smem:$0x3FAF] =	sst s3  }
0xc: {  	[smem:$0x3FB0] =	sst s4  }
0xd: {  	[smem:$0x3FB1] =	sst s5  }
0xe: {  	[smem:$0x3FB2] =	sst s6  }
0xf: {  	[smem:$0x3FB3] =	sst s7  }
0x10: {  	[smem:$0x3FB4] =	sst s8  }
0x11: {  	[smem:$0x3FB5] =	sst s9;
	s0 =	simm.s32 @!p0 $0x0  }
0x12: {  	s1 =	sld [smem:$0x3F9B];
	s0 =	simm.s32 @p0 $0x1  }
0x13: {  	[smem:$0x3FB6] =	sst s0;
	s0 =	simm.s32 @!p1 $0x0  }
0x14: {  	s2 =	sld [smem:$0x3F9A];
	s0 =	simm.s32 @p1 $0x1  }
0x15: {  	[smem:$0x3FB7] =	sst s0;
	s0 =	simm.s32 @!p2 $0x0  }
0x16: {  	s3 =	sld [smem:$0x3FDB];
	s0 =	simm.s32 @p2 $0x1  }
0x17: {  	s4 =	simm.s32 $0x1BF5;
	[smem:$0x3FB9] =	sst s0  }
0x18: {  	s0 =	sld [smem:$0x3F9C];
	_ =	swait.ge [sflag:s4], $0x0  }
0x19: {  	s7 =	sld [smem:$0x3F9D]  }
0x1a: {  	s8 =	sadd.s32 $0xFFFFE003, lr  }
0x1b: {  	s9 =	sadd.s32 $0xFFFFFEF7, lr;
	s5 =	simm.s32 $0xFFFFFFFF;
	p2 =	slt.u32 s8, $0xFFFFF086  }
0x1c: {  	p1 =	slt.u32 s9, $0xF7A;
	s5 =	simm.s32 @!p2 $0x0  }
0x1d: {  	s5 =	simm.s32 @p1 $0x1;
	p0 =	seq.s32 s7, s2  }
0x1e: {  	s7 =	smul.u32 @!p0 $0xF7A, s2;
	p2 =	seq.s32 @!p0 s5, $0x0  }
0x1f: {  	s9 =	smul.u32 $0xF7A, s1;
	s8 =	simm.s32 @!p0 $0x1BF5;
	p2 =	por !p2, p0  }
0x20: {  	[sflag:s8] =	ssyncset.s32 @!p0 $0xFFFFF086;
	s6 =	sadd.s32 @!p0 s3, s7;
	s7 =	simm.s32 @!p0 $0x108  }
0x21: {  	s3 =	sadd.s32 s3, s9;
	s6 =	sadd.s32 @!p0 $0x88, s6;
	s7 =	simm.s32 @p2 $0x1082  }
0x22: {  	[simem:s7], [sflag:s8] =	dma.local @!p0 [hbm:s6], $0xF7A  }
0x23: {  	s9 =	sor.u32 $0xD0000000, s2;
	s6 =	simm.s32 $0x108;
	_ =	swait.ge @!p0 [sflag:s8], $0x0  }
0x24: {  	s3 =	sadd.s32 $0x88, s3;
	s6 =	simm.s32 @!p1 $0x1082;
	[sflag:s4] =	ssyncset.s32 $0xFFFFF086  }
0x25: {  	[simem:s6], [sflag:s4] =	dma.local [hbm:s3], $0xF7A  }
0x26: {  	[smem:$0x3F9D] =	sst s1;
	(tag) =	ssettag s2;
	_ =	strace s9  }
0x27: {  	s1 =	sld [smem:$0x3FAD]  }
0x28: {  	s2 =	sld [smem:$0x3FAE]  }
0x29: {  	s4 =	sld [smem:$0x3FB0]  }
0x2a: {  	p0 =	seq.s32 s5, $0x0;
	s5 =	sld [smem:$0x3FB1]  }
0x2b: {  	s6 =	sld [smem:$0x3FB2]  }
0x2c: {  	s7 =	sld [smem:$0x3FB3]  }
0x2d: {  	s3 =	simm.s32 $0x108;
	s8 =	sld [smem:$0x3FB4]  }
0x2e: {  	s3 =	simm.s32 @!p0 $0x1082;
	s9 =	sld [smem:$0x3FB5]  }
0x2f: {  	lr =	sadd.s32 s0, s3;
	s0 =	sld [smem:$0x3FAC]  }
0x30: {  	s3 =	sld [smem:$0x3FAF]  }
0x31: {  	[smem:$0x3FB8] =	sst s10  }
0x32: {  	s10 =	sld [smem:$0x3FB6];
	_ =	sdelay $0x3  }
0x33: {  	p0 =	seq.s32 s10, $0x1;
	s10 =	sld [smem:$0x3FB8];
	_ =	sdelay $0x3  }
0x34: {  	[smem:$0x3FB8] =	sst s10  }
0x35: {  	s10 =	sld [smem:$0x3FB7];
	_ =	sdelay $0x3  }
0x36: {  	p1 =	seq.s32 s10, $0x1;
	s10 =	sld [smem:$0x3FB8];
	_ =	sdelay $0x3  }
0x37: {  	[smem:$0x3FB8] =	sst s10  }
0x38: {  	s10 =	sld [smem:$0x3FB9]  }
0x39: {  	_ = 	snop;
	(pc) =	sbr.ind lr, $3  }
0x3a: {  	_ = 	snop  }
0x3b: {  	_ = 	snop  }
0x3c: {  	p2 =	seq.s32 s10, $0x1;
	s10 =	sld [smem:$0x3FB8]  }
0x3d: {  	_ =	shalt  }
0x3e: {  	_ =	shalt  }
0x3f: {  	_ =	shalt  }
0x40: {  	_ =	shalt  }
0x41: {  	_ =	shalt  }
0x42: {  	_ =	shalt  }
0x43: {  	_ =	shalt  }
0x44: {  	_ =	shalt  }
0x45: {  	_ =	shalt  }
0x46: {  	_ =	shalt  }
0x47: {  	_ =	shalt  }
0x48: {  	_ =	shalt  }
0x49: {  	_ =	shalt  }
0x4a: {  	_ =	shalt  }
0x4b: {  	_ =	shalt  }
0x4c: {  	_ =	shalt  }
0x4d: {  	_ =	shalt  }
0x4e: {  	_ =	shalt  }
0x4f: {  	_ =	shalt  }
0x50: {  	_ =	shalt  }
0x51: {  	_ =	shalt  }
0x52: {  	_ =	shalt  }
0x53: {  	_ =	shalt  }
0x54: {  	_ =	shalt  }
0x55: {  	_ =	shalt  }
0x56: {  	_ =	shalt  }
0x57: {  	_ =	shalt  }
0x58: {  	_ =	shalt  }
0x59: {  	_ =	shalt  }
0x5a: {  	_ =	shalt  }
0x5b: {  	_ =	shalt  }
0x5c: {  	_ =	shalt  }
0x5d: {  	_ =	shalt  }
0x5e: {  	_ =	shalt  }
0x5f: {  	_ =	shalt  }
0x60: {  	_ =	shalt  }
0x61: {  	_ =	shalt  }
0x62: {  	_ =	shalt  }
0x63: {  	_ =	shalt  }
0x64: {  	_ =	shalt  }
0x65: {  	_ =	shalt  }
0x66: {  	_ =	shalt  }
0x67: {  	_ =	shalt  }
0x68: {  	_ =	shalt  }
0x69: {  	_ =	shalt  }
0x6a: {  	_ =	shalt  }
0x6b: {  	_ =	shalt  }
0x6c: {  	_ =	shalt  }
0x6d: {  	_ =	shalt  }
0x6e: {  	_ =	shalt  }
0x6f: {  	_ =	shalt  }
0x70: {  	_ =	shalt  }
0x71: {  	_ =	shalt  }
0x72: {  	_ =	shalt  }
0x73: {  	_ =	shalt  }
0x74: {  	_ =	shalt  }
0x75: {  	_ =	shalt  }
0x76: {  	_ =	shalt  }
0x77: {  	_ =	shalt  }
0x78: {  	_ =	shalt  }
0x79: {  	_ =	shalt  }
0x7a: {  	_ =	shalt  }
0x7b: {  	_ =	shalt  }
0x7c: {  	_ =	shalt  }
0x7d: {  	_ =	shalt  }
0x7e: {  	_ =	shalt  }
0x7f: {  	_ =	shalt  }
0x80: {  	_ =	shalt  }
0x81: {  	_ =	shalt  }
0x82: {  	_ =	shalt  }
0x83: {  	_ =	shalt  }
0x84: {  	_ =	shalt  }
0x85: {  	_ =	shalt  }
0x86: {  	_ =	shalt  }
0x87: {  	_ =	shalt  }
.Lfunc_end0:
.L_simem_size_0:
called_computation_lowered:
.L_overlay_start_0:
0x88: {  	s2 =	sld [smem:$0x3FD9]  }
0x89: {  	s3 =	sld [smem:$0x3FFE];
	_ =	sdelay $0x1  }
0x8a: {  	s1 =	srdreg.scid  }
0x8b: {  	s0 =	sand.u32 $0x1, s1  }
0x8c: {  	s17 =	sshll.u32 s0, $0xA;
	s2 =	sadd.s32 s3, s2  }
0x8d: {  	s2 =	sadd.s32 s2, s17  }
0x8e: {  	[smem:$0x3FC4] =	sst s2  }
0x8f: {  	_ = 	snop  }
0x90: {  	s2 =	sld [smem:$0x3FD0];
	(tm) =	ssettm $0x1  }
0x91: {  	s18 =	sld [smem:$0x3FFB];
	_ =	sdelay $0x3  }
0x92: {  	_ =	strace s18  }
0x93: {  	s3 =	sld [smem:$0x3FFC];
	_ =	sdelay $0x3  }
0x94: {  	_ =	strace s3  }
0x95: {  	s3 =	sld [smem:$0x3FFD];
	_ =	sdelay $0x3  }
0x96: {  	_ =	strace s3  }
0x97: {  	_ =	strace $0x8FFFFFFF  }
0x98: {  	s19 =	sld [smem:$0x3FDB];
	_ =	sdelay $0x1  }
0x99: {  	s4 =	simm.s32 $_scs_section_size  }
0x9a: {  	s5 =	simm.s32 $_size__tile_overlayer_lowered;
	s6 =	simm.s32 $_tile_overlayer_lowered  }
0x9b: {  	s22 =	simm.s32 $0x1BFF;
	s21 =	sshll.u32 s6, $0x1;
	s3 =	sadd.s32 s4, s19  }
0x9c: {  	s7 =	simm.s32 $0x0;
	s20 =	sshll.u32 s5, $0x1;
	s5 =	sadd.s32 s21, s3  }
0x9d: {  	[timem:s7], [sflag:s22] =	dma.local [hbm:s5], s20  }
0x9e: {  	_ =	swait.ge [sflag:s22], s20  }
0x9f: {  	s4 =	ssub.s32 $0x0, s20;
	[sflag:s22] =	ssyncset.done $0x0  }
0xa0: {  	[sflag:s22] =	ssyncadd.s32 s4;
	_ =	sdelay $0x1  }
0xa1: {  	s23 =	simm.s32 $0x1B8B  }
0xa2: {  	_ =	swait.ge [sflag:s23], $0x1  }
0xa3: {  	[sflag:s23] =	ssyncset.done $0x0  }
0xa4: {  	s25 =	simm.s32 $0x1B8E;
	s24 =	sld [smem:$0x3FFE];
	[sflag:s23] =	ssyncadd.s32 $0xFFFFFFFF  }
0xa5: {  	s26 =	simm.s32 $execute0_lowered;
	[smem:$0x3FD2] =	sst s25  }
0xa6: {  	s5 =	sshll.u32 s26, $0x1;
	_ =	strace $0x80000046;
	[dreg:$0x1] =	wrdreg $0xFFFFFFFF  }
0xa7: {  	s28 =	simm.s32 $_size_execute0_lowered;
	s3 =	sadd.s32 s3, s5;
	[dreg:$0x0] =	wrdreg $0x0  }
0xa8: {  	s5 =	sshll.u32 s28, $0x1;
	[dreg:$0x2] =	wrdreg s3  }
0xa9: {  	[dreg:$0x3] =	wrdreg s5  }
0xaa: {  	[dreg:$0x4] =	wrdreg $0xC0  }
0xab: {  	_ =	task [dreg:s7], $0x5FFFF  }
0xac: {  	[dreg:$0x1] =	wrdreg $0xFFFFFFFF  }
0xad: {  	[dreg:$0x0] =	wrdreg $0x60  }
0xae: {  	[dreg:$0x2] =	wrdreg s24  }
0xaf: {  	[dreg:$0x3] =	wrdreg s2  }
0xb0: {  	[dreg:$0x4] =	wrdreg $0x9  }
0xb1: {  	_ =	task.clear_ibuf [dreg:s7], $0x5FFFF;
	_ =	strace $0x90000046  }
0xb2: {  	s29 =	simm.s32 $0x9;
	_ =	strace $0x80000048  }
0xb3: {  	_ =	swait.ge [sflag:s29], $0x1  }
0xb4: {  	[sflag:s29] =	ssyncadd.s32 $0xFFFFFFFF  }
0xb5: {  	_ =	strace $0x90000048  }
0xb6: {  	_ =	sfence  }
0xb7: {  	s30 =	sld [smem:$0x0];
	_ =	sdelay $0x2  }
0xb8: {  	s31 =	sshll.u32 s1, $0xD;
	s1 =	sshrl.u32 s1, $0x2  }
0xb9: {  	s3 =	sand.u32 $0x4000, s31;
	s1 =	sadd.s32 s1, s30  }
0xba: {  	s0 =	sor.u32 s3, s0;
	s1 =	sshll.u32 s1, $0x11  }
0xbb: {  	s0 =	sor.u32 s1, s0  }
0xbc: {  	s0 =	sadd.s32 $0x8F2B, s0  }
0xbd: {  	[sflag:s0] =	ssyncadd.remote.s32 $0x1  }
0xbe: {  	_ =	sfence.sel $0xFFFF  }
0xbf: {  	[dreg:$0x0] =	wrdreg $0xFFFFFFFF;
	(pc) =	sbr.abs _section_cstart, $3  }
0xc0: {  	[dreg:$0x1] =	wrdreg $0xFFFFFFFF  }
0xc1: {  	_ =	task.clear_ibuf [dreg:s7], $0x2FFFF;
	_ =	strace $0x9FFFFFFF  }
0xc2: {  	(tm) =	ssettm $0x7FFFFFFF  }
0xc3: {  	_ =	shalt  }
tec
execute0_lowered:
.L_overlay_start_1:
0x0: {  	(tag) =	ssettag $0x1  }
0x1: {  	s0 =	rddreg [dreg:$0x0]  }
0x2: {  	s2 =	rddreg [dreg:$0x1];
	s1 =	simm.s32 $0x0  }
0x3: {  	s3 =	srdreg.scid;
	s9 =	stileid.u32;
	s14 =	simm.s32 $0x80  }
0x4: {  	s15 =	simm.s32 $0x100;
	s16 =	simm.s32 $0x180;
	s17 =	simm.s32 $0x200  }
0x5: {  	s18 =	simm.s32 $0x280;
	s19 =	simm.s32 $0x300;
	s20 =	simm.s32 $0x380  }
0x6: {  	s21 =	simm.s32 $0x480;
	s22 =	simm.s32 $0x500;
	s23 =	simm.s32 $0x580  }
0x7: {  	s24 =	simm.s32 $0x600;
	s25 =	simm.s32 $0x680;
	[smem:$0x7FF] =	sst s1  }
0x8: {  	s26 =	simm.s32 $0x700;
	_ =	strace $0x80000047;
	[dreg:$0x5] =	wrdreg s14  }
0x9: {  	s31 =	simm.s32 $0x780;
	s28 =	simm.s32 $0x3;
	[dreg:$0x6] =	wrdreg s15  }
0xa: {  	s29 =	simm.s32 $0x4;
	s30 =	simm.s32 $0x0;
	[dreg:$0x7] =	wrdreg s16  }
0xb: {  	s5 =	sand.u32 $0x1, s3;
	s3 =	sadd.s32 $0x40C00, s0;
	[dreg:$0x8] =	wrdreg s17  }
0xc: {  	s0 =	sadd.s32 $0x7E3000, s0;
	s7 =	sshll.u32 s9, $0x13;
	[dreg:$0x9] =	wrdreg s18  }
0xd: {  	s11 =	sshll.u32 s9, $0xE;
	s9 =	simm.s32 $0x1800;
	[dreg:$0xa] =	wrdreg s19  }
0xe: {  	s4 =	ssub.s32 $0x2, s5;
	s10 =	sadd.s32 s7, s0;
	[dreg:$0xb] =	wrdreg s20  }
0xf: {  	s8 =	sshll.u32 s5, $0x12;
	s2 =	sadd.s32 s11, s2;
	[dreg:$0xc] =	wrdreg s21  }
0x10: {  	s5 =	sshll.u32 s5, $0xD;
	s11 =	simm.s32 $0x3800;
	[dreg:$0xd] =	wrdreg s22  }
0x11: {  	s14 =	simm.s32 $0x6800;
	s15 =	simm.s32 $0x7800;
	[dreg:$0xe] =	wrdreg s23  }
0x12: {  	s16 =	simm.s32 $0x400;
	s17 =	simm.s32 $0x8800;
	[dreg:$0xf] =	wrdreg s24  }
0x13: {  	s18 =	simm.s32 $0x9800;
	s19 =	simm.s32 $0xA800;
	[dreg:$0x10] =	wrdreg s25  }
0x14: {  	s20 =	simm.s32 $0xB800;
	s21 =	simm.s32 $0xC800;
	[dreg:$0x11] =	wrdreg s26  }
0x15: {  	s22 =	simm.s32 $0xD800;
	s23 =	simm.s32 $0xE800;
	[dreg:$0x12] =	wrdreg s31  }
0x16: {  	s24 =	simm.s32 $0xF800;
	s25 =	simm.s32 $0x1;
	s26 =	simm.s32 $0x2  }
0x17: {  	s6 =	sshrl.u32 s4, $0x1;
	s7 =	sor.u32 s8, s7;
	s13 =	sadd.s32 s5, s2  }
0x18: {  	s4 =	ssub.s32 s4, s6;
	s6 =	sadd.s32 s8, s10;
	s0 =	sadd.s32 s7, s0  }
0x19: {  	[dreg:$0x14] =	wrdreg s13;
	s7 =	simm.s32 $0x1A;
	s8 =	simm.s32 $0x800  }
0x1a: {  	s10 =	simm.s32 $0x2800;
	s4 =	smax.u32 s4, $0x1;
	[dreg:$0x3] =	wrdreg s6  }
0x1b: {  	s13 =	simm.s32 $0x5800;
	s12 =	sadd.s32 $0x1000, s0;
	[dreg:$0x13] =	wrdreg s4  }
0x1c: {  	s6 =	simm.s32 $0x5;
	[dreg:$0x4] =	wrdreg s12;
	s12 =	simm.s32 $0x4800  }
.LBB2_1:
0x1d: {  	s0 =	rddreg [dreg:$0x14]  }
0x1e: {  	[tilespmem:s1], [sflag:$0x5] =	stream.linear.gather [hbm4b:s0+s1], $0x400, $0x38;
	[tilespmem:$0x10800] =	vst v63  }
0x1f: {  	_ =	swait.ge [sflag:s6], $0x400  }
0x20: {  	[sflag:s6] =	ssyncset.done $0x0  }
0x21: {  	[sflag:s6] =	ssyncadd.s32 $0xFFFFFC00  }
0x22: {  	[tilespmem:s8], [sflag:$0x1] =	stream.indirect.gather [hbm4b:s3+s7], $0x80, s1, s7, $0xb8;
	[tilespmem:$0x10800] =	vst v63  }
0x23: {  	s2 =	rddreg [dreg:$0x5]  }
0x24: {  	[tilespmem:s9], [sflag:$0x1] =	stream.indirect.gather [hbm4b:s3+s7], $0x80, s2, s7, $0xb8;
	[tilespmem:$0x10800] =	vst v63  }
0x25: {  	s5 =	rddreg [dreg:$0x6]  }
0x26: {  	[tilespmem:s10], [sflag:$0x1] =	stream.indirect.gather [hbm4b:s3+s7], $0x80, s5, s7, $0xb8;
	[tilespmem:$0x10800] =	vst v63  }
0x27: {  	s4 =	rddreg [dreg:$0x7]  }
0x28: {  	[tilespmem:s11], [sflag:$0x1] =	stream.indirect.gather [hbm4b:s3+s7], $0x80, s4, s7, $0xb8;
	[tilespmem:$0x10800] =	vst v63  }
0x29: {  	s5 =	rddreg [dreg:$0x8]  }
0x2a: {  	[tilespmem:s12], [sflag:$0x1] =	stream.indirect.gather [hbm4b:s3+s7], $0x80, s5, s7, $0xb8;
	[tilespmem:$0x10800] =	vst v63  }
0x2b: {  	s4 =	rddreg [dreg:$0x9]  }
0x2c: {  	[tilespmem:s13], [sflag:$0x1] =	stream.indirect.gather [hbm4b:s3+s7], $0x80, s4, s7, $0xb8;
	[tilespmem:$0x10800] =	vst v63  }
0x2d: {  	s5 =	rddreg [dreg:$0xa]  }
0x2e: {  	[tilespmem:s14], [sflag:$0x1] =	stream.indirect.gather [hbm4b:s3+s7], $0x80, s5, s7, $0xb8;
	[tilespmem:$0x10800] =	vst v63  }
0x2f: {  	s4 =	rddreg [dreg:$0xb]  }
0x30: {  	[tilespmem:s15], [sflag:$0x1] =	stream.indirect.gather [hbm4b:s3+s7], $0x80, s4, s7, $0xb8;
	[tilespmem:$0x10800] =	vst v63  }
0x31: {  	s5 =	sadd.s32 $0x80, s0  }
0x32: {  	[tilespmem:s16], [sflag:$0x5] =	stream.linear.gather [hbm4b:s5+s1], $0x400, $0x38;
	[tilespmem:$0x10800] =	vst v63  }
0x33: {  	_ =	swait.ge [sflag:s6], $0x400  }
0x34: {  	[sflag:s6] =	ssyncset.done $0x0  }
0x35: {  	[sflag:s6] =	ssyncadd.s32 $0xFFFFFC00  }
0x36: {  	[tilespmem:s17], [sflag:$0x2] =	stream.indirect.gather [hbm4b:s3+s7], $0x80, s16, s7, $0xb8;
	[tilespmem:$0x10800] =	vst v63  }
0x37: {  	s4 =	rddreg [dreg:$0xc]  }
0x38: {  	[tilespmem:s18], [sflag:$0x2] =	stream.indirect.gather [hbm4b:s3+s7], $0x80, s4, s7, $0xb8;
	[tilespmem:$0x10800] =	vst v63  }
0x39: {  	s5 =	rddreg [dreg:$0xd]  }
0x3a: {  	[tilespmem:s19], [sflag:$0x2] =	stream.indirect.gather [hbm4b:s3+s7], $0x80, s5, s7, $0xb8;
	[tilespmem:$0x10800] =	vst v63  }
0x3b: {  	s4 =	rddreg [dreg:$0xe]  }
0x3c: {  	[tilespmem:s20], [sflag:$0x2] =	stream.indirect.gather [hbm4b:s3+s7], $0x80, s4, s7, $0xb8;
	[tilespmem:$0x10800] =	vst v63  }
0x3d: {  	s5 =	rddreg [dreg:$0xf]  }
0x3e: {  	[tilespmem:s21], [sflag:$0x2] =	stream.indirect.gather [hbm4b:s3+s7], $0x80, s5, s7, $0xb8;
	[tilespmem:$0x10800] =	vst v63  }
0x3f: {  	s4 =	rddreg [dreg:$0x10]  }
0x40: {  	[tilespmem:s22], [sflag:$0x2] =	stream.indirect.gather [hbm4b:s3+s7], $0x80, s4, s7, $0xb8;
	[tilespmem:$0x10800] =	vst v63  }
0x41: {  	s5 =	rddreg [dreg:$0x11]  }
0x42: {  	[tilespmem:s23], [sflag:$0x2] =	stream.indirect.gather [hbm4b:s3+s7], $0x80, s5, s7, $0xb8;
	[tilespmem:$0x10800] =	vst v63  }
0x43: {  	s4 =	rddreg [dreg:$0x12]  }
0x44: {  	[tilespmem:s24], [sflag:$0x2] =	stream.indirect.gather [hbm4b:s3+s7], $0x80, s4, s7, $0xb8;
	[tilespmem:$0x10800] =	vst v63  }
0x45: {  	_ =	swait.ge [sflag:s25], $0xD00  }
0x46: {  	[sflag:s25] =	ssyncset.done $0x0  }
0x47: {  	[sflag:s25] =	ssyncadd.s32 $0xFFFFF300  }
0x48: {  	_ =	swait.ge [sflag:s25], $0xD00  }
0x49: {  	[sflag:s25] =	ssyncset.done $0x0  }
0x4a: {  	[sflag:s25] =	ssyncadd.s32 $0xFFFFF300  }
0x4b: {  	_ =	swait.ge [sflag:s25], $0xD00  }
0x4c: {  	[sflag:s25] =	ssyncset.done $0x0  }
0x4d: {  	[sflag:s25] =	ssyncadd.s32 $0xFFFFF300  }
0x4e: {  	_ =	swait.ge [sflag:s25], $0xD00  }
0x4f: {  	[sflag:s25] =	ssyncset.done $0x0  }
0x50: {  	[sflag:s25] =	ssyncadd.s32 $0xFFFFF300  }
0x51: {  	_ =	swait.ge [sflag:s25], $0xD00  }
0x52: {  	[sflag:s25] =	ssyncset.done $0x0  }
0x53: {  	[sflag:s25] =	ssyncadd.s32 $0xFFFFF300  }
0x54: {  	_ =	swait.ge [sflag:s25], $0xD00  }
0x55: {  	[sflag:s25] =	ssyncset.done $0x0  }
0x56: {  	[sflag:s25] =	ssyncadd.s32 $0xFFFFF300  }
0x57: {  	_ =	swait.ge [sflag:s25], $0xD00  }
0x58: {  	[sflag:s25] =	ssyncset.done $0x0  }
0x59: {  	[sflag:s25] =	ssyncadd.s32 $0xFFFFF300  }
0x5a: {  	_ =	swait.ge [sflag:s25], $0xD00  }
0x5b: {  	s5 =	rddreg [dreg:$0x3];
	[sflag:s25] =	ssyncset.done $0x0  }
0x5c: {  	[sflag:s25] =	ssyncadd.s32 $0xFFFFF300;
	s2 =	sadd.s32 $0x0, s5  }
0x5d: {  	[hbm4b:s2+s1] =	stream.linear.scatter [tilespmem:s8], [sflag:$0x3], $0xD00, $0x38;
	[tilespmem:$0x10800] =	vst v63  }
0x5e: {  	s4 =	sadd.s32 $0x200, s2  }
0x5f: {  	[hbm4b:s4+s1] =	stream.linear.scatter [tilespmem:s9], [sflag:$0x3], $0xD00, $0x38;
	[tilespmem:$0x10800] =	vst v63  }
0x60: {  	s4 =	sadd.s32 $0x400, s2  }
0x61: {  	[hbm4b:s4+s1] =	stream.linear.scatter [tilespmem:s10], [sflag:$0x3], $0xD00, $0x38;
	[tilespmem:$0x10800] =	vst v63  }
0x62: {  	s4 =	sadd.s32 $0x600, s2  }
0x63: {  	[hbm4b:s4+s1] =	stream.linear.scatter [tilespmem:s11], [sflag:$0x3], $0xD00, $0x38;
	[tilespmem:$0x10800] =	vst v63  }
0x64: {  	s4 =	sadd.s32 $0x800, s2  }
0x65: {  	[hbm4b:s4+s1] =	stream.linear.scatter [tilespmem:s12], [sflag:$0x3], $0xD00, $0x38;
	[tilespmem:$0x10800] =	vst v63  }
0x66: {  	s4 =	sadd.s32 $0xA00, s2  }
0x67: {  	[hbm4b:s4+s1] =	stream.linear.scatter [tilespmem:s13], [sflag:$0x3], $0xD00, $0x38;
	[tilespmem:$0x10800] =	vst v63  }
0x68: {  	s4 =	sadd.s32 $0xC00, s2  }
0x69: {  	[hbm4b:s4+s1] =	stream.linear.scatter [tilespmem:s14], [sflag:$0x3], $0xD00, $0x38;
	[tilespmem:$0x10800] =	vst v63  }
0x6a: {  	s2 =	sadd.s32 $0xE00, s2  }
0x6b: {  	[hbm4b:s2+s1] =	stream.linear.scatter [tilespmem:s15], [sflag:$0x3], $0xD00, $0x38;
	[tilespmem:$0x10800] =	vst v63  }
0x6c: {  	_ =	swait.ge [sflag:s26], $0xD00  }
0x6d: {  	[sflag:s26] =	ssyncset.done $0x0  }
0x6e: {  	[sflag:s26] =	ssyncadd.s32 $0xFFFFF300  }
0x6f: {  	_ =	swait.ge [sflag:s26], $0xD00  }
0x70: {  	[sflag:s26] =	ssyncset.done $0x0  }
0x71: {  	[sflag:s26] =	ssyncadd.s32 $0xFFFFF300  }
0x72: {  	_ =	swait.ge [sflag:s26], $0xD00  }
0x73: {  	[sflag:s26] =	ssyncset.done $0x0  }
0x74: {  	[sflag:s26] =	ssyncadd.s32 $0xFFFFF300  }
0x75: {  	_ =	swait.ge [sflag:s26], $0xD00  }
0x76: {  	[sflag:s26] =	ssyncset.done $0x0  }
0x77: {  	[sflag:s26] =	ssyncadd.s32 $0xFFFFF300  }
0x78: {  	_ =	swait.ge [sflag:s26], $0xD00  }
0x79: {  	[sflag:s26] =	ssyncset.done $0x0  }
0x7a: {  	[sflag:s26] =	ssyncadd.s32 $0xFFFFF300  }
0x7b: {  	_ =	swait.ge [sflag:s26], $0xD00  }
0x7c: {  	[sflag:s26] =	ssyncset.done $0x0  }
0x7d: {  	[sflag:s26] =	ssyncadd.s32 $0xFFFFF300  }
0x7e: {  	_ =	swait.ge [sflag:s26], $0xD00  }
0x7f: {  	[sflag:s26] =	ssyncset.done $0x0  }
0x80: {  	[sflag:s26] =	ssyncadd.s32 $0xFFFFF300  }
0x81: {  	_ =	swait.ge [sflag:s26], $0xD00  }
0x82: {  	s5 =	rddreg [dreg:$0x4];
	[sflag:s26] =	ssyncset.done $0x0  }
0x83: {  	[sflag:s26] =	ssyncadd.s32 $0xFFFFF300;
	s2 =	sadd.s32 $0x0, s5  }
0x84: {  	[hbm4b:s2+s1] =	stream.linear.scatter [tilespmem:s17], [sflag:$0x4], $0xD00, $0x38;
	[tilespmem:$0x10800] =	vst v63  }
0x85: {  	s4 =	sadd.s32 $0x200, s2  }
0x86: {  	[hbm4b:s4+s1] =	stream.linear.scatter [tilespmem:s18], [sflag:$0x4], $0xD00, $0x38;
	[tilespmem:$0x10800] =	vst v63  }
0x87: {  	s4 =	sadd.s32 $0x400, s2  }
0x88: {  	[hbm4b:s4+s1] =	stream.linear.scatter [tilespmem:s19], [sflag:$0x4], $0xD00, $0x38;
	[tilespmem:$0x10800] =	vst v63  }
0x89: {  	s4 =	sadd.s32 $0x600, s2  }
0x8a: {  	[hbm4b:s4+s1] =	stream.linear.scatter [tilespmem:s20], [sflag:$0x4], $0xD00, $0x38;
	[tilespmem:$0x10800] =	vst v63  }
0x8b: {  	s4 =	sadd.s32 $0x800, s2  }
0x8c: {  	[hbm4b:s4+s1] =	stream.linear.scatter [tilespmem:s21], [sflag:$0x4], $0xD00, $0x38;
	[tilespmem:$0x10800] =	vst v63  }
0x8d: {  	s4 =	sadd.s32 $0xA00, s2  }
0x8e: {  	[hbm4b:s4+s1] =	stream.linear.scatter [tilespmem:s22], [sflag:$0x4], $0xD00, $0x38;
	[tilespmem:$0x10800] =	vst v63  }
0x8f: {  	s4 =	sadd.s32 $0xC00, s2  }
0x90: {  	[hbm4b:s4+s1] =	stream.linear.scatter [tilespmem:s23], [sflag:$0x4], $0xD00, $0x38;
	[tilespmem:$0x10800] =	vst v63  }
0x91: {  	s2 =	sadd.s32 $0xE00, s2  }
0x92: {  	[hbm4b:s2+s1] =	stream.linear.scatter [tilespmem:s24], [sflag:$0x4], $0xD00, $0x38;
	[tilespmem:$0x10800] =	vst v63  }
0x93: {  	_ =	swait.ge [sflag:s28], $0x6800  }
0x94: {  	[sflag:s28] =	ssyncset.done $0x0  }
0x95: {  	[sflag:s28] =	ssyncadd.s32 $0xFFFF9800  }
0x96: {  	_ =	swait.ge [sflag:s29], $0x6800  }
0x97: {  	s31 =	simm.s32 $0x2000;
	s5 =	smov.u32 s0;
	[sflag:s29] =	ssyncset.done $0x0  }
.LBB2_2:
0x98: {  	[sflag:s29] =	ssyncadd.s32 $0xFFFF9800;
	s5 =	sadd.s32 $0x100, s5  }
0x99: {  	[tilespmem:s1], [sflag:$0x5] =	stream.linear.gather [hbm4b:s5+s1], $0x400, $0x38;
	[tilespmem:$0x10800] =	vst v63  }
0x9a: {  	_ =	swait.ge [sflag:s6], $0x400  }
0x9b: {  	[sflag:s6] =	ssyncset.done $0x0  }
0x9c: {  	[sflag:s6] =	ssyncadd.s32 $0xFFFFFC00  }
0x9d: {  	[tilespmem:s8], [sflag:$0x1] =	stream.indirect.gather [hbm4b:s3+s7], $0x80, s1, s7, $0xb8;
	[tilespmem:$0x10800] =	vst v63  }
0x9e: {  	s4 =	rddreg [dreg:$0x5]  }
0x9f: {  	[tilespmem:s9], [sflag:$0x1] =	stream.indirect.gather [hbm4b:s3+s7], $0x80, s4, s7, $0xb8;
	[tilespmem:$0x10800] =	vst v63  }
0xa0: {  	s0 =	rddreg [dreg:$0x6]  }
0xa1: {  	[tilespmem:s10], [sflag:$0x1] =	stream.indirect.gather [hbm4b:s3+s7], $0x80, s0, s7, $0xb8;
	[tilespmem:$0x10800] =	vst v63  }
0xa2: {  	s4 =	rddreg [dreg:$0x7]  }
0xa3: {  	[tilespmem:s11], [sflag:$0x1] =	stream.indirect.gather [hbm4b:s3+s7], $0x80, s4, s7, $0xb8;
	[tilespmem:$0x10800] =	vst v63  }
0xa4: {  	s0 =	rddreg [dreg:$0x8]  }
0xa5: {  	[tilespmem:s12], [sflag:$0x1] =	stream.indirect.gather [hbm4b:s3+s7], $0x80, s0, s7, $0xb8;
	[tilespmem:$0x10800] =	vst v63  }
0xa6: {  	s4 =	rddreg [dreg:$0x9]  }
0xa7: {  	[tilespmem:s13], [sflag:$0x1] =	stream.indirect.gather [hbm4b:s3+s7], $0x80, s4, s7, $0xb8;
	[tilespmem:$0x10800] =	vst v63  }
0xa8: {  	s0 =	rddreg [dreg:$0xa]  }
0xa9: {  	[tilespmem:s14], [sflag:$0x1] =	stream.indirect.gather [hbm4b:s3+s7], $0x80, s0, s7, $0xb8;
	[tilespmem:$0x10800] =	vst v63  }
0xaa: {  	s4 =	rddreg [dreg:$0xb]  }
0xab: {  	[tilespmem:s15], [sflag:$0x1] =	stream.indirect.gather [hbm4b:s3+s7], $0x80, s4, s7, $0xb8;
	[tilespmem:$0x10800] =	vst v63  }
0xac: {  	s4 =	sadd.s32 $0x80, s5  }
0xad: {  	[tilespmem:s16], [sflag:$0x5] =	stream.linear.gather [hbm4b:s4+s1], $0x400, $0x38;
	[tilespmem:$0x10800] =	vst v63  }
0xae: {  	_ =	swait.ge [sflag:s6], $0x400  }
0xaf: {  	[sflag:s6] =	ssyncset.done $0x0  }
0xb0: {  	[sflag:s6] =	ssyncadd.s32 $0xFFFFFC00  }
0xb1: {  	[tilespmem:s17], [sflag:$0x2] =	stream.indirect.gather [hbm4b:s3+s7], $0x80, s16, s7, $0xb8;
	[tilespmem:$0x10800] =	vst v63  }
0xb2: {  	s0 =	rddreg [dreg:$0xc]  }
0xb3: {  	[tilespmem:s18], [sflag:$0x2] =	stream.indirect.gather [hbm4b:s3+s7], $0x80, s0, s7, $0xb8;
	[tilespmem:$0x10800] =	vst v63  }
0xb4: {  	s4 =	rddreg [dreg:$0xd]  }
0xb5: {  	[tilespmem:s19], [sflag:$0x2] =	stream.indirect.gather [hbm4b:s3+s7], $0x80, s4, s7, $0xb8;
	[tilespmem:$0x10800] =	vst v63  }
0xb6: {  	s0 =	rddreg [dreg:$0xe]  }
0xb7: {  	[tilespmem:s20], [sflag:$0x2] =	stream.indirect.gather [hbm4b:s3+s7], $0x80, s0, s7, $0xb8;
	[tilespmem:$0x10800] =	vst v63  }
0xb8: {  	s4 =	rddreg [dreg:$0xf]  }
0xb9: {  	[tilespmem:s21], [sflag:$0x2] =	stream.indirect.gather [hbm4b:s3+s7], $0x80, s4, s7, $0xb8;
	[tilespmem:$0x10800] =	vst v63  }
0xba: {  	s0 =	rddreg [dreg:$0x10]  }
0xbb: {  	[tilespmem:s22], [sflag:$0x2] =	stream.indirect.gather [hbm4b:s3+s7], $0x80, s0, s7, $0xb8;
	[tilespmem:$0x10800] =	vst v63  }
0xbc: {  	s4 =	rddreg [dreg:$0x11]  }
0xbd: {  	[tilespmem:s23], [sflag:$0x2] =	stream.indirect.gather [hbm4b:s3+s7], $0x80, s4, s7, $0xb8;
	[tilespmem:$0x10800] =	vst v63  }
0xbe: {  	s0 =	rddreg [dreg:$0x12]  }
0xbf: {  	[tilespmem:s24], [sflag:$0x2] =	stream.indirect.gather [hbm4b:s3+s7], $0x80, s0, s7, $0xb8;
	[tilespmem:$0x10800] =	vst v63  }
0xc0: {  	_ =	swait.ge [sflag:s25], $0xD00  }
0xc1: {  	[sflag:s25] =	ssyncset.done $0x0  }
0xc2: {  	[sflag:s25] =	ssyncadd.s32 $0xFFFFF300  }
0xc3: {  	_ =	swait.ge [sflag:s25], $0xD00  }
0xc4: {  	[sflag:s25] =	ssyncset.done $0x0  }
0xc5: {  	[sflag:s25] =	ssyncadd.s32 $0xFFFFF300  }
0xc6: {  	_ =	swait.ge [sflag:s25], $0xD00  }
0xc7: {  	[sflag:s25] =	ssyncset.done $0x0  }
0xc8: {  	[sflag:s25] =	ssyncadd.s32 $0xFFFFF300  }
0xc9: {  	_ =	swait.ge [sflag:s25], $0xD00  }
0xca: {  	[sflag:s25] =	ssyncset.done $0x0  }
0xcb: {  	[sflag:s25] =	ssyncadd.s32 $0xFFFFF300  }
0xcc: {  	_ =	swait.ge [sflag:s25], $0xD00  }
0xcd: {  	[sflag:s25] =	ssyncset.done $0x0  }
0xce: {  	[sflag:s25] =	ssyncadd.s32 $0xFFFFF300  }
0xcf: {  	_ =	swait.ge [sflag:s25], $0xD00  }
0xd0: {  	[sflag:s25] =	ssyncset.done $0x0  }
0xd1: {  	[sflag:s25] =	ssyncadd.s32 $0xFFFFF300  }
0xd2: {  	_ =	swait.ge [sflag:s25], $0xD00  }
0xd3: {  	[sflag:s25] =	ssyncset.done $0x0  }
0xd4: {  	[sflag:s25] =	ssyncadd.s32 $0xFFFFF300  }
0xd5: {  	_ =	swait.ge [sflag:s25], $0xD00  }
0xd6: {  	s2 =	smov.u32 s31;
	s4 =	rddreg [dreg:$0x3];
	[sflag:s25] =	ssyncset.done $0x0  }
0xd7: {  	[sflag:s25] =	ssyncadd.s32 $0xFFFFF300;
	s0 =	sadd.s32 s2, s4  }
0xd8: {  	[hbm4b:s0+s1] =	stream.linear.scatter [tilespmem:s8], [sflag:$0x3], $0xD00, $0x38;
	[tilespmem:$0x10800] =	vst v63  }
0xd9: {  	s4 =	sadd.s32 $0x200, s0  }
0xda: {  	[hbm4b:s4+s1] =	stream.linear.scatter [tilespmem:s9], [sflag:$0x3], $0xD00, $0x38;
	[tilespmem:$0x10800] =	vst v63  }
0xdb: {  	s4 =	sadd.s32 $0x400, s0  }
0xdc: {  	[hbm4b:s4+s1] =	stream.linear.scatter [tilespmem:s10], [sflag:$0x3], $0xD00, $0x38;
	[tilespmem:$0x10800] =	vst v63  }
0xdd: {  	s4 =	sadd.s32 $0x600, s0  }
0xde: {  	[hbm4b:s4+s1] =	stream.linear.scatter [tilespmem:s11], [sflag:$0x3], $0xD00, $0x38;
	[tilespmem:$0x10800] =	vst v63  }
0xdf: {  	s4 =	sadd.s32 $0x800, s0  }
0xe0: {  	[hbm4b:s4+s1] =	stream.linear.scatter [tilespmem:s12], [sflag:$0x3], $0xD00, $0x38;
	[tilespmem:$0x10800] =	vst v63  }
0xe1: {  	s4 =	sadd.s32 $0xA00, s0  }
0xe2: {  	[hbm4b:s4+s1] =	stream.linear.scatter [tilespmem:s13], [sflag:$0x3], $0xD00, $0x38;
	[tilespmem:$0x10800] =	vst v63  }
0xe3: {  	s4 =	sadd.s32 $0xC00, s0  }
0xe4: {  	[hbm4b:s4+s1] =	stream.linear.scatter [tilespmem:s14], [sflag:$0x3], $0xD00, $0x38;
	[tilespmem:$0x10800] =	vst v63  }
0xe5: {  	s0 =	sadd.s32 $0xE00, s0  }
0xe6: {  	[hbm4b:s0+s1] =	stream.linear.scatter [tilespmem:s15], [sflag:$0x3], $0xD00, $0x38;
	[tilespmem:$0x10800] =	vst v63  }
0xe7: {  	_ =	swait.ge [sflag:s26], $0xD00  }
0xe8: {  	[sflag:s26] =	ssyncset.done $0x0  }
0xe9: {  	[sflag:s26] =	ssyncadd.s32 $0xFFFFF300  }
0xea: {  	_ =	swait.ge [sflag:s26], $0xD00  }
0xeb: {  	[sflag:s26] =	ssyncset.done $0x0  }
0xec: {  	[sflag:s26] =	ssyncadd.s32 $0xFFFFF300  }
0xed: {  	_ =	swait.ge [sflag:s26], $0xD00  }
0xee: {  	[sflag:s26] =	ssyncset.done $0x0  }
0xef: {  	[sflag:s26] =	ssyncadd.s32 $0xFFFFF300  }
0xf0: {  	_ =	swait.ge [sflag:s26], $0xD00  }
0xf1: {  	[sflag:s26] =	ssyncset.done $0x0  }
0xf2: {  	[sflag:s26] =	ssyncadd.s32 $0xFFFFF300  }
0xf3: {  	_ =	swait.ge [sflag:s26], $0xD00  }
0xf4: {  	[sflag:s26] =	ssyncset.done $0x0  }
0xf5: {  	[sflag:s26] =	ssyncadd.s32 $0xFFFFF300  }
0xf6: {  	_ =	swait.ge [sflag:s26], $0xD00  }
0xf7: {  	[sflag:s26] =	ssyncset.done $0x0  }
0xf8: {  	[sflag:s26] =	ssyncadd.s32 $0xFFFFF300  }
0xf9: {  	_ =	swait.ge [sflag:s26], $0xD00  }
0xfa: {  	[sflag:s26] =	ssyncset.done $0x0  }
0xfb: {  	[sflag:s26] =	ssyncadd.s32 $0xFFFFF300  }
0xfc: {  	_ =	swait.ge [sflag:s26], $0xD00  }
0xfd: {  	s4 =	rddreg [dreg:$0x4];
	[sflag:s26] =	ssyncset.done $0x0  }
0xfe: {  	[sflag:s26] =	ssyncadd.s32 $0xFFFFF300;
	s0 =	sadd.s32 s2, s4  }
0xff: {  	[hbm4b:s0+s1] =	stream.linear.scatter [tilespmem:s17], [sflag:$0x4], $0xD00, $0x38;
	[tilespmem:$0x10800] =	vst v63  }
0x100: {  	s2 =	sadd.s32 $0x200, s0  }
0x101: {  	[hbm4b:s2+s1] =	stream.linear.scatter [tilespmem:s18], [sflag:$0x4], $0xD00, $0x38;
	[tilespmem:$0x10800] =	vst v63  }
0x102: {  	s4 =	sadd.s32 $0x400, s0  }
0x103: {  	[hbm4b:s4+s1] =	stream.linear.scatter [tilespmem:s19], [sflag:$0x4], $0xD00, $0x38;
	[tilespmem:$0x10800] =	vst v63  }
0x104: {  	s4 =	sadd.s32 $0x600, s0  }
0x105: {  	[hbm4b:s4+s1] =	stream.linear.scatter [tilespmem:s20], [sflag:$0x4], $0xD00, $0x38;
	[tilespmem:$0x10800] =	vst v63  }
0x106: {  	s4 =	sadd.s32 $0x800, s0  }
0x107: {  	[hbm4b:s4+s1] =	stream.linear.scatter [tilespmem:s21], [sflag:$0x4], $0xD00, $0x38;
	[tilespmem:$0x10800] =	vst v63  }
0x108: {  	s4 =	sadd.s32 $0xA00, s0  }
0x109: {  	[hbm4b:s4+s1] =	stream.linear.scatter [tilespmem:s22], [sflag:$0x4], $0xD00, $0x38;
	[tilespmem:$0x10800] =	vst v63  }
0x10a: {  	s4 =	sadd.s32 $0xC00, s0  }
0x10b: {  	[hbm4b:s4+s1] =	stream.linear.scatter [tilespmem:s23], [sflag:$0x4], $0xD00, $0x38;
	[tilespmem:$0x10800] =	vst v63  }
0x10c: {  	p0 =	sne.s32 s31, $0x3E000;
	s0 =	sadd.s32 $0xE00, s0  }
0x10d: {  	[hbm4b:s0+s1] =	stream.linear.scatter [tilespmem:s24], [sflag:$0x4], $0xD00, $0x38;
	[tilespmem:$0x10800] =	vst v63  }
.Ltmp0:
0x10e: {  	_ =	swait.ge [sflag:s28], $0x6800;
	(pc) =	sbr.rel @p0 .LBB2_2-.Ltmp0, $4  }
0x10f: {  	[sflag:s28] =	ssyncset.done $0x0  }
0x110: {  	[sflag:s28] =	ssyncadd.s32 $0xFFFF9800  }
0x111: {  	_ =	swait.ge [sflag:s29], $0x6800  }
0x112: {  	s31 =	sadd.s32 $0x2000, s31;
	[sflag:s29] =	ssyncset.done $0x0  }
0x113: {  	s30 =	sadd.s32 $0x1, s30;
	s0 =	rddreg [dreg:$0x13]  }
0x114: {  	p0 =	sne.s32 s30, s0  }
.Ltmp1:
0x115: {  	_ = 	snop;
	(pc) =	sbr.rel @p0 .LBB2_1-.Ltmp1, $2  }
0x116: {  	_ =	sdelay $0x2  }
0x117: {  	[sflag:s29] =	ssyncadd.s32 $0xFFFF9800  }
0x118: {  	_ =	sfence.sel $0x180000  }
0x119: {  	[bflag:$0x0] =	sbarrier.arrive $0xFFFF  }
0x11a: {  	_ =	strace $0x90000047  }
0x11b: {  	s0 =	stileid.u32;
	[bflag:$0x2] =	sbarrier.arrive $0xFFFF  }
0x11c: {  	p0 =	sne.s32 s0, $0x0;
	s0 =	rddreg [dreg:$0x2]  }
0x11d: {  	s0 =	sadd.s32 @!p0 $0x100000, s0  }
0x11e: {  	[sflag:s0] =	ssyncadd.tile.s32 @!p0 $0x1;
	_ =	shalt  }
.Lfunc_end2:
_tile_overlayer_lowered:
.L_overlay_start_2:
0x11f: {  	(tag) =	ssettag $0x2  }
0x120: {  	s0 =	rddreg [dreg:$0x0];
	s2 =	stileid.u32  }
0x121: {  	s1 =	rddreg [dreg:$0x1];
	p0 =	sne.s32 s2, $0x0  }
0x122: {  	s3 =	rddreg [dreg:$0x2];
	[bflag:$0x3] =	sbarrier.arrive $0xFFFF;
	s2 =	simm.s32 @!p0 $0x1C05  }
0x123: {  	[timem:s3], [sflag:s2] =	dma.local @!p0 [hbm:s0], s1  }
0x124: {  	s0 =	simm.s32 @!p0 $0x5  }
0x125: {  	_ =	swait.ge @!p0 [sflag:s0], s1  }
0x126: {  	s1 =	ssub.s32 @!p0 $0x0, s1;
	[sflag:s0] =	ssyncset.done @!p0 $0x0  }
0x127: {  	[sflag:s0] =	ssyncadd.s32 @!p0 s1  }
0x128: {  	[bflag:$0x3] =	sbarrier.arrive $0xFFFF  }
0x129: {  	_ =	shalt  }

</sc_bundles>
